<compile_context>
chip_gen: v7x
topology: tpu7x:2x2x1
jax: 0.10.2.dev20260603
libtpu: 0.0.44.dev20260713+nightly
codegen_flags: <defaults>
</compile_context>

<pallas_src>
import jax
import jax.numpy as jnp
from jax import lax
from jax.experimental import pallas as pl
from jax.experimental.pallas import tpu as pltpu
from jax.experimental.pallas import tpu_sc as plsc

B, S = 4, 8192
TOK = B * S
IN_D = 768
PROJ_D = 512
EMB_D = 128
OUT_D = PROJ_D + 2 * EMB_D

NC, NS = 2, 16
NW = NC * NS
TPW = TOK // NW
CH = 128
NCH = TPW // CH
NBUF = 6

M_TILE = 2048


def _sc_scatter_body(tag_idx_hbm, tag_tab_hbm, out_hbm,
                     idx_t, r0, r1, r2, r3, r4, r5,
                     s0, s1, s2, s3, s4, s5,
                     t0, t1, t2, t3, t4, t5):
    wid = lax.axis_index("s") * NC + lax.axis_index("c")
    base = wid * NCH
    pltpu.sync_copy(tag_idx_hbm.at[pl.ds(base, NCH)], idx_t)
    rows = (r0, r1, r2, r3, r4, r5)
    gsems = (s0, s1, s2, s3, s4, s5)
    ssems = (t0, t1, t2, t3, t4, t5)

    def fire(j):
        return pltpu.async_copy(
            tag_tab_hbm.at[idx_t.at[j]], rows[j % NBUF], gsems[j % NBUF])

    cps = {}
    sts = {}
    for j in range(NBUF):
        cps[j] = fire(j)
    for j in range(NCH):
        cps.pop(j).wait()
        sts[j] = pltpu.async_copy(
            rows[j % NBUF],
            out_hbm.at[pl.ds((base + j) * CH, CH), pl.ds(PROJ_D, EMB_D)],
            ssems[j % NBUF])
        if j + NBUF < NCH:
            sts.pop(j).wait()
            cps[j + NBUF] = fire(j + NBUF)
    for j in sorted(sts):
        sts[j].wait()


def _sc_scatter_tags(tag_idx, tag_tab, out_ref):
    mesh = plsc.VectorSubcoreMesh(core_axis_name="c", subcore_axis_name="s")
    pl.kernel(
        _sc_scatter_body,
        out_type=(),
        mesh=mesh,
        scratch_types=(
            [pltpu.VMEM((NCH, CH), jnp.int32)]
            + [pltpu.VMEM((CH, EMB_D), jnp.float32)] * NBUF
            + [pltpu.SemaphoreType.DMA] * (2 * NBUF)
        ),
    )(tag_idx, tag_tab, out_ref)


def _tc_body(x_ref, w_ref, b_ref, mask_ref, ptab_ref, out_ref):
    acc = jnp.dot(x_ref[...], w_ref[...], preferred_element_type=jnp.float32)
    out_ref[:, :PROJ_D] = acc + b_ref[...]
    pred = jnp.where(mask_ref[...] == 0, ptab_ref[0:1, :], ptab_ref[1:2, :])
    out_ref[:, PROJ_D + EMB_D:] = pred


def _tc_project(x2d, W, b2d, mask_col, ptab):
    return pl.pallas_call(
        _tc_body,
        grid=(TOK // M_TILE,),
        in_specs=[
            pl.BlockSpec((M_TILE, IN_D), lambda i: (i, 0)),
            pl.BlockSpec((IN_D, PROJ_D), lambda i: (0, 0)),
            pl.BlockSpec((1, PROJ_D), lambda i: (0, 0)),
            pl.BlockSpec((M_TILE, 1), lambda i: (i, 0)),
            pl.BlockSpec((2, EMB_D), lambda i: (0, 0)),
        ],
        out_specs=pl.BlockSpec((M_TILE, OUT_D), lambda i: (i, 0)),
        out_shape=jax.ShapeDtypeStruct((TOK, OUT_D), jnp.float32),
    )(x2d, W, b2d, mask_col, ptab)


def kernel(input_layer, tag_ids, predicate_mask, tag_embeddings,
           predicate_embeddings, W, b):
    x2d = input_layer.reshape(TOK, IN_D)
    tag_idx = tag_ids.astype(jnp.int32).reshape(NW * NCH, CH)
    mask_col = predicate_mask.astype(jnp.int32).reshape(TOK, 1)
    out = _tc_project(x2d, W, b.reshape(1, PROJ_D), mask_col,
                      predicate_embeddings)
    out_ref = jax.new_ref(out)
    _sc_scatter_tags(tag_idx, tag_embeddings, out_ref)
    return out_ref[...].reshape(B, S, OUT_D)

# --- scband reference (transcript-rebuilt; emitter-appended) ---
"""Pipeline reference for scband-embedding-layer-39779987096185 (READ-ONLY COPY).

The authoritative reference and input builder live on the scoring server;
editing this copy changes nothing except your own understanding.
"""

import jax, jax.numpy as jnp
import numpy as np

TAGS_NUM = 100000
PRED_NUM = 2
INPUT_DIM = 768
TAG_DIM = 128
PRED_DIM = 128
B, S = 4, 8192


def setup_inputs(seed: int = 0) -> dict:
    key = jax.random.key(seed)
    ks = jax.random.split(key, 7)
    input_layer = jax.random.normal(ks[0], (B, S, INPUT_DIM), dtype=jnp.float32)
    tag_ids = jax.random.randint(ks[1], (B, S), 0, TAGS_NUM)
    predicate_mask = jax.random.randint(ks[2], (B, S), 0, PRED_NUM)
    tag_embeddings = jax.random.normal(ks[3], (TAGS_NUM, TAG_DIM), dtype=jnp.float32)
    predicate_embeddings = jax.random.normal(ks[4], (PRED_NUM, PRED_DIM), dtype=jnp.float32)
    W = jax.random.normal(ks[5], (INPUT_DIM, 512), dtype=jnp.float32) * 0.02
    b = jnp.zeros((512,), dtype=jnp.float32)
    return {
        "input_layer": input_layer,
        "tag_ids": tag_ids,
        "predicate_mask": predicate_mask,
        "tag_embeddings": tag_embeddings,
        "predicate_embeddings": predicate_embeddings,
        "W": W,
        "b": b,
    }


def reference(input_layer, tag_ids, predicate_mask, tag_embeddings, predicate_embeddings, W, b):
    # embedding gathers (SparseCore-friendly)
    predicate_embedding = jnp.take(predicate_embeddings, predicate_mask, axis=0)
    tag_embedding = jnp.take(tag_embeddings, tag_ids, axis=0)
    # mode == 'concat': project then concatenate along last dim
    projected = input_layer @ W + b
    output = jnp.concatenate((projected, tag_embedding, predicate_embedding), axis=-1)
    return output

if __name__ == "__main__":
    import jax
    _d = setup_inputs()
    print(jax.jit(kernel)(*tuple(_d.values())))

</pallas_src>

<mosaic_0001>
#map = affine_map<(d0, d1) -> (0, 0)>
module attributes {stable_mosaic.version = 14 : i64} {
  func.func @new_body(%arg0: i32, %arg1: i32, %arg2: memref<256x128xi32, #tpu.memory_space<hbm>>, %arg3: memref<100000x128xf32, #tpu.memory_space<hbm>>, %arg4: memref<32768x768xf32, #tpu.memory_space<hbm>>, %arg5: memref<32768x768xf32, #tpu.memory_space<hbm>>, %arg6: memref<8x128xi32, #tpu.memory_space<vmem>>, %arg7: memref<128x128xf32, #tpu.memory_space<vmem>>, %arg8: memref<128x128xf32, #tpu.memory_space<vmem>>, %arg9: memref<128x128xf32, #tpu.memory_space<vmem>>, %arg10: memref<128x128xf32, #tpu.memory_space<vmem>>, %arg11: memref<128x128xf32, #tpu.memory_space<vmem>>, %arg12: memref<128x128xf32, #tpu.memory_space<vmem>>, %arg13: memref<!tpu.dma_semaphore, #tpu.memory_space<semaphore_mem>>, %arg14: memref<!tpu.dma_semaphore, #tpu.memory_space<semaphore_mem>>, %arg15: memref<!tpu.dma_semaphore, #tpu.memory_space<semaphore_mem>>, %arg16: memref<!tpu.dma_semaphore, #tpu.memory_space<semaphore_mem>>, %arg17: memref<!tpu.dma_semaphore, #tpu.memory_space<semaphore_mem>>, %arg18: memref<!tpu.dma_semaphore, #tpu.memory_space<semaphore_mem>>, %arg19: memref<!tpu.dma_semaphore, #tpu.memory_space<semaphore_mem>>, %arg20: memref<!tpu.dma_semaphore, #tpu.memory_space<semaphore_mem>>, %arg21: memref<!tpu.dma_semaphore, #tpu.memory_space<semaphore_mem>>, %arg22: memref<!tpu.dma_semaphore, #tpu.memory_space<semaphore_mem>>, %arg23: memref<!tpu.dma_semaphore, #tpu.memory_space<semaphore_mem>>, %arg24: memref<!tpu.dma_semaphore, #tpu.memory_space<semaphore_mem>>) attributes {dimension_semantics = [#tpu.dimension_semantics<core_parallel>, #tpu.dimension_semantics<subcore_parallel>], iteration_bounds = array<i64: 2, 16>, scalar_prefetch = 0 : i64, scratch_operands = 19 : i64, tpu.core_type = #tpu.core_type<sc_vector_subcore>, window_params = [{transform_indices = #map}, {transform_indices = #map}, {transform_indices = #map}, {transform_indices = #map}]} {
    %mul3A = arith.constant 2 : i32
    %mul3A_0 = arith.muli %arg1, %mul3A : i32
    %add3A = arith.addi %mul3A_0, %arg0 : i32
    %mul3A_1 = arith.constant 8 : i32
    %mul3A_2 = arith.muli %add3A, %mul3A_1 : i32
    "tpu.region"() ({
      %run_scoped3A = tpu.sem_alloc : memref<!tpu.dma_semaphore, #tpu.memory_space<semaphore_mem>>
      %dma_start3A_209 = arith.constant 0 : i32
      %dma_start3A_210 = tpu.memref_slice %arg2[%mul3A_2, %dma_start3A_209] : memref<256x128xi32, #tpu.memory_space<hbm>> -> memref<8x128xi32, #tpu.memory_space<hbm>>
      %dma_start3A_211 = arith.constant 0 : i32
      %dma_start3A_212 = tpu.memref_slice %arg2[%mul3A_2, %dma_start3A_211] : memref<256x128xi32, #tpu.memory_space<hbm>> -> memref<8x128xi32, #tpu.memory_space<hbm>>
      tpu.enqueue_dma source(%dma_start3A_212 : memref<8x128xi32, #tpu.memory_space<hbm>>) target(%arg6 : memref<8x128xi32, #tpu.memory_space<vmem>>) target_semaphore(%run_scoped3A : memref<!tpu.dma_semaphore, #tpu.memory_space<semaphore_mem>>)
      %dma_wait3A_213 = arith.constant 0 : i32
      %dma_wait3A_214 = tpu.memref_slice %arg2[%mul3A_2, %dma_wait3A_213] : memref<256x128xi32, #tpu.memory_space<hbm>> -> memref<8x128xi32, #tpu.memory_space<hbm>>
      %dma_wait3A_215 = arith.constant 0 : i32
      %dma_wait3A_216 = tpu.memref_slice %arg2[%mul3A_2, %dma_wait3A_215] : memref<256x128xi32, #tpu.memory_space<hbm>> -> memref<8x128xi32, #tpu.memory_space<hbm>>
      tpu.wait_dma2 semaphore(%run_scoped3A : memref<!tpu.dma_semaphore, #tpu.memory_space<semaphore_mem>>) src(%dma_wait3A_216 : memref<8x128xi32, #tpu.memory_space<hbm>>) dst(%arg6 : memref<8x128xi32, #tpu.memory_space<vmem>>)
      tpu.yield
    }) : () -> ()
    %dma_start3A = arith.constant 0 : i32
    %dma_start3A_3 = arith.constant 0 : i32
    %dma_start3A_4 = tpu.memref_slice %arg6[%dma_start3A, %dma_start3A_3] : memref<8x128xi32, #tpu.memory_space<vmem>> -> memref<1x128xi32, #tpu.memory_space<vmem>>
    %dma_start3A_5 = tpu.memref_squeeze %dma_start3A_4 : memref<1x128xi32, #tpu.memory_space<vmem>> -> memref<128xi32, #tpu.memory_space<vmem>>
    %dma_start3A_6 = arith.constant 0 : i32
    %dma_start3A_7 = arith.constant 0 : i32
    %dma_start3A_8 = tpu.memref_slice %arg3[%dma_start3A_6, %dma_start3A_7] : memref<100000x128xf32, #tpu.memory_space<hbm>> -> memref<100000x128xf32, #tpu.memory_space<hbm>>
    tpu.enqueue_indirect_dma source(%dma_start3A_8 : memref<100000x128xf32, #tpu.memory_space<hbm>>) target(%arg7 : memref<128x128xf32, #tpu.memory_space<vmem>>) offsets(%dma_start3A_5 : memref<128xi32, #tpu.memory_space<vmem>>) semaphore(%arg13 : memref<!tpu.dma_semaphore, #tpu.memory_space<semaphore_mem>>)
    %dma_start3A_9 = arith.constant 1 : i32
    %dma_start3A_10 = arith.constant 0 : i32
    %dma_start3A_11 = tpu.memref_slice %arg6[%dma_start3A_9, %dma_start3A_10] : memref<8x128xi32, #tpu.memory_space<vmem>> -> memref<1x128xi32, #tpu.memory_space<vmem>>
    %dma_start3A_12 = tpu.memref_squeeze %dma_start3A_11 : memref<1x128xi32, #tpu.memory_space<vmem>> -> memref<128xi32, #tpu.memory_space<vmem>>
    %dma_start3A_13 = arith.constant 0 : i32
    %dma_start3A_14 = arith.constant 0 : i32
    %dma_start3A_15 = tpu.memref_slice %arg3[%dma_start3A_13, %dma_start3A_14] : memref<100000x128xf32, #tpu.memory_space<hbm>> -> memref<100000x128xf32, #tpu.memory_space<hbm>>
    tpu.enqueue_indirect_dma source(%dma_start3A_15 : memref<100000x128xf32, #tpu.memory_space<hbm>>) target(%arg8 : memref<128x128xf32, #tpu.memory_space<vmem>>) offsets(%dma_start3A_12 : memref<128xi32, #tpu.memory_space<vmem>>) semaphore(%arg14 : memref<!tpu.dma_semaphore, #tpu.memory_space<semaphore_mem>>)
    %dma_start3A_16 = arith.constant 2 : i32
    %dma_start3A_17 = arith.constant 0 : i32
    %dma_start3A_18 = tpu.memref_slice %arg6[%dma_start3A_16, %dma_start3A_17] : memref<8x128xi32, #tpu.memory_space<vmem>> -> memref<1x128xi32, #tpu.memory_space<vmem>>
    %dma_start3A_19 = tpu.memref_squeeze %dma_start3A_18 : memref<1x128xi32, #tpu.memory_space<vmem>> -> memref<128xi32, #tpu.memory_space<vmem>>
    %dma_start3A_20 = arith.constant 0 : i32
    %dma_start3A_21 = arith.constant 0 : i32
    %dma_start3A_22 = tpu.memref_slice %arg3[%dma_start3A_20, %dma_start3A_21] : memref<100000x128xf32, #tpu.memory_space<hbm>> -> memref<100000x128xf32, #tpu.memory_space<hbm>>
    tpu.enqueue_indirect_dma source(%dma_start3A_22 : memref<100000x128xf32, #tpu.memory_space<hbm>>) target(%arg9 : memref<128x128xf32, #tpu.memory_space<vmem>>) offsets(%dma_start3A_19 : memref<128xi32, #tpu.memory_space<vmem>>) semaphore(%arg15 : memref<!tpu.dma_semaphore, #tpu.memory_space<semaphore_mem>>)
    %dma_start3A_23 = arith.constant 3 : i32
    %dma_start3A_24 = arith.constant 0 : i32
    %dma_start3A_25 = tpu.memref_slice %arg6[%dma_start3A_23, %dma_start3A_24] : memref<8x128xi32, #tpu.memory_space<vmem>> -> memref<1x128xi32, #tpu.memory_space<vmem>>
    %dma_start3A_26 = tpu.memref_squeeze %dma_start3A_25 : memref<1x128xi32, #tpu.memory_space<vmem>> -> memref<128xi32, #tpu.memory_space<vmem>>
    %dma_start3A_27 = arith.constant 0 : i32
    %dma_start3A_28 = arith.constant 0 : i32
    %dma_start3A_29 = tpu.memref_slice %arg3[%dma_start3A_27, %dma_start3A_28] : memref<100000x128xf32, #tpu.memory_space<hbm>> -> memref<100000x128xf32, #tpu.memory_space<hbm>>
    tpu.enqueue_indirect_dma source(%dma_start3A_29 : memref<100000x128xf32, #tpu.memory_space<hbm>>) target(%arg10 : memref<128x128xf32, #tpu.memory_space<vmem>>) offsets(%dma_start3A_26 : memref<128xi32, #tpu.memory_space<vmem>>) semaphore(%arg16 : memref<!tpu.dma_semaphore, #tpu.memory_space<semaphore_mem>>)
    %dma_start3A_30 = arith.constant 4 : i32
    %dma_start3A_31 = arith.constant 0 : i32
    %dma_start3A_32 = tpu.memref_slice %arg6[%dma_start3A_30, %dma_start3A_31] : memref<8x128xi32, #tpu.memory_space<vmem>> -> memref<1x128xi32, #tpu.memory_space<vmem>>
    %dma_start3A_33 = tpu.memref_squeeze %dma_start3A_32 : memref<1x128xi32, #tpu.memory_space<vmem>> -> memref<128xi32, #tpu.memory_space<vmem>>
    %dma_start3A_34 = arith.constant 0 : i32
    %dma_start3A_35 = arith.constant 0 : i32
    %dma_start3A_36 = tpu.memref_slice %arg3[%dma_start3A_34, %dma_start3A_35] : memref<100000x128xf32, #tpu.memory_space<hbm>> -> memref<100000x128xf32, #tpu.memory_space<hbm>>
    tpu.enqueue_indirect_dma source(%dma_start3A_36 : memref<100000x128xf32, #tpu.memory_space<hbm>>) target(%arg11 : memref<128x128xf32, #tpu.memory_space<vmem>>) offsets(%dma_start3A_33 : memref<128xi32, #tpu.memory_space<vmem>>) semaphore(%arg17 : memref<!tpu.dma_semaphore, #tpu.memory_space<semaphore_mem>>)
    %dma_start3A_37 = arith.constant 5 : i32
    %dma_start3A_38 = arith.constant 0 : i32
    %dma_start3A_39 = tpu.memref_slice %arg6[%dma_start3A_37, %dma_start3A_38] : memref<8x128xi32, #tpu.memory_space<vmem>> -> memref<1x128xi32, #tpu.memory_space<vmem>>
    %dma_start3A_40 = tpu.memref_squeeze %dma_start3A_39 : memref<1x128xi32, #tpu.memory_space<vmem>> -> memref<128xi32, #tpu.memory_space<vmem>>
    %dma_start3A_41 = arith.constant 0 : i32
    %dma_start3A_42 = arith.constant 0 : i32
    %dma_start3A_43 = tpu.memref_slice %arg3[%dma_start3A_41, %dma_start3A_42] : memref<100000x128xf32, #tpu.memory_space<hbm>> -> memref<100000x128xf32, #tpu.memory_space<hbm>>
    tpu.enqueue_indirect_dma source(%dma_start3A_43 : memref<100000x128xf32, #tpu.memory_space<hbm>>) target(%arg12 : memref<128x128xf32, #tpu.memory_space<vmem>>) offsets(%dma_start3A_40 : memref<128xi32, #tpu.memory_space<vmem>>) semaphore(%arg18 : memref<!tpu.dma_semaphore, #tpu.memory_space<semaphore_mem>>)
    %dma_wait3A = arith.constant 0 : i32
    %dma_wait3A_44 = arith.constant 0 : i32
    %dma_wait3A_45 = tpu.memref_slice %arg6[%dma_wait3A, %dma_wait3A_44] : memref<8x128xi32, #tpu.memory_space<vmem>> -> memref<1x128xi32, #tpu.memory_space<vmem>>
    %dma_wait3A_46 = tpu.memref_squeeze %dma_wait3A_45 : memref<1x128xi32, #tpu.memory_space<vmem>> -> memref<128xi32, #tpu.memory_space<vmem>>
    %dma_wait3A_47 = arith.constant 0 : i32
    %dma_wait3A_48 = arith.constant 0 : i32
    %dma_wait3A_49 = tpu.memref_slice %arg3[%dma_wait3A_47, %dma_wait3A_48] : memref<100000x128xf32, #tpu.memory_space<hbm>> -> memref<100000x128xf32, #tpu.memory_space<hbm>>
    tpu.wait_indirect_dma semaphore(%arg13 : memref<!tpu.dma_semaphore, #tpu.memory_space<semaphore_mem>>) src(%dma_wait3A_49 : memref<100000x128xf32, #tpu.memory_space<hbm>>) dst(%arg7 : memref<128x128xf32, #tpu.memory_space<vmem>>)
    %add3A_50 = arith.constant 0 : i32
    %add3A_51 = arith.addi %mul3A_2, %add3A_50 : i32
    %mul3A_52 = arith.constant 128 : i32
    %mul3A_53 = arith.muli %add3A_51, %mul3A_52 : i32
    %dma_start3A_54 = arith.constant 512 : i32
    %dma_start3A_55 = tpu.memref_slice %arg4[%mul3A_53, %dma_start3A_54] : memref<32768x768xf32, #tpu.memory_space<hbm>> -> memref<128x128xf32, #tpu.memory_space<hbm>>
    %dma_start3A_56 = arith.constant 512 : i32
    %dma_start3A_57 = tpu.memref_slice %arg4[%mul3A_53, %dma_start3A_56] : memref<32768x768xf32, #tpu.memory_space<hbm>> -> memref<128x128xf32, #tpu.memory_space<hbm>>
    tpu.enqueue_dma source(%arg7 : memref<128x128xf32, #tpu.memory_space<vmem>>) target(%dma_start3A_57 : memref<128x128xf32, #tpu.memory_space<hbm>>) target_semaphore(%arg19 : memref<!tpu.dma_semaphore, #tpu.memory_space<semaphore_mem>>)
    %dma_wait3A_58 = arith.constant 512 : i32
    %dma_wait3A_59 = tpu.memref_slice %arg4[%mul3A_53, %dma_wait3A_58] : memref<32768x768xf32, #tpu.memory_space<hbm>> -> memref<128x128xf32, #tpu.memory_space<hbm>>
    %dma_wait3A_60 = arith.constant 512 : i32
    %dma_wait3A_61 = tpu.memref_slice %arg4[%mul3A_53, %dma_wait3A_60] : memref<32768x768xf32, #tpu.memory_space<hbm>> -> memref<128x128xf32, #tpu.memory_space<hbm>>
    tpu.wait_dma2 semaphore(%arg19 : memref<!tpu.dma_semaphore, #tpu.memory_space<semaphore_mem>>) src(%arg7 : memref<128x128xf32, #tpu.memory_space<vmem>>) dst(%dma_wait3A_61 : memref<128x128xf32, #tpu.memory_space<hbm>>)
    %dma_start3A_62 = arith.constant 6 : i32
    %dma_start3A_63 = arith.constant 0 : i32
    %dma_start3A_64 = tpu.memref_slice %arg6[%dma_start3A_62, %dma_start3A_63] : memref<8x128xi32, #tpu.memory_space<vmem>> -> memref<1x128xi32, #tpu.memory_space<vmem>>
    %dma_start3A_65 = tpu.memref_squeeze %dma_start3A_64 : memref<1x128xi32, #tpu.memory_space<vmem>> -> memref<128xi32, #tpu.memory_space<vmem>>
    %dma_start3A_66 = arith.constant 0 : i32
    %dma_start3A_67 = arith.constant 0 : i32
    %dma_start3A_68 = tpu.memref_slice %arg3[%dma_start3A_66, %dma_start3A_67] : memref<100000x128xf32, #tpu.memory_space<hbm>> -> memref<100000x128xf32, #tpu.memory_space<hbm>>
    tpu.enqueue_indirect_dma source(%dma_start3A_68 : memref<100000x128xf32, #tpu.memory_space<hbm>>) target(%arg7 : memref<128x128xf32, #tpu.memory_space<vmem>>) offsets(%dma_start3A_65 : memref<128xi32, #tpu.memory_space<vmem>>) semaphore(%arg13 : memref<!tpu.dma_semaphore, #tpu.memory_space<semaphore_mem>>)
    %dma_wait3A_69 = arith.constant 1 : i32
    %dma_wait3A_70 = arith.constant 0 : i32
    %dma_wait3A_71 = tpu.memref_slice %arg6[%dma_wait3A_69, %dma_wait3A_70] : memref<8x128xi32, #tpu.memory_space<vmem>> -> memref<1x128xi32, #tpu.memory_space<vmem>>
    %dma_wait3A_72 = tpu.memref_squeeze %dma_wait3A_71 : memref<1x128xi32, #tpu.memory_space<vmem>> -> memref<128xi32, #tpu.memory_space<vmem>>
    %dma_wait3A_73 = arith.constant 0 : i32
    %dma_wait3A_74 = arith.constant 0 : i32
    %dma_wait3A_75 = tpu.memref_slice %arg3[%dma_wait3A_73, %dma_wait3A_74] : memref<100000x128xf32, #tpu.memory_space<hbm>> -> memref<100000x128xf32, #tpu.memory_space<hbm>>
    tpu.wait_indirect_dma semaphore(%arg14 : memref<!tpu.dma_semaphore, #tpu.memory_space<semaphore_mem>>) src(%dma_wait3A_75 : memref<100000x128xf32, #tpu.memory_space<hbm>>) dst(%arg8 : memref<128x128xf32, #tpu.memory_space<vmem>>)
    %add3A_76 = arith.constant 1 : i32
    %add3A_77 = arith.addi %mul3A_2, %add3A_76 : i32
    %mul3A_78 = arith.constant 128 : i32
    %mul3A_79 = arith.muli %add3A_77, %mul3A_78 : i32
    %dma_start3A_80 = arith.constant 512 : i32
    %dma_start3A_81 = tpu.memref_slice %arg4[%mul3A_79, %dma_start3A_80] : memref<32768x768xf32, #tpu.memory_space<hbm>> -> memref<128x128xf32, #tpu.memory_space<hbm>>
    %dma_start3A_82 = arith.constant 512 : i32
    %dma_start3A_83 = tpu.memref_slice %arg4[%mul3A_79, %dma_start3A_82] : memref<32768x768xf32, #tpu.memory_space<hbm>> -> memref<128x128xf32, #tpu.memory_space<hbm>>
    tpu.enqueue_dma source(%arg8 : memref<128x128xf32, #tpu.memory_space<vmem>>) target(%dma_start3A_83 : memref<128x128xf32, #tpu.memory_space<hbm>>) target_semaphore(%arg20 : memref<!tpu.dma_semaphore, #tpu.memory_space<semaphore_mem>>)
    %dma_wait3A_84 = arith.constant 512 : i32
    %dma_wait3A_85 = tpu.memref_slice %arg4[%mul3A_79, %dma_wait3A_84] : memref<32768x768xf32, #tpu.memory_space<hbm>> -> memref<128x128xf32, #tpu.memory_space<hbm>>
    %dma_wait3A_86 = arith.constant 512 : i32
    %dma_wait3A_87 = tpu.memref_slice %arg4[%mul3A_79, %dma_wait3A_86] : memref<32768x768xf32, #tpu.memory_space<hbm>> -> memref<128x128xf32, #tpu.memory_space<hbm>>
    tpu.wait_dma2 semaphore(%arg20 : memref<!tpu.dma_semaphore, #tpu.memory_space<semaphore_mem>>) src(%arg8 : memref<128x128xf32, #tpu.memory_space<vmem>>) dst(%dma_wait3A_87 : memref<128x128xf32, #tpu.memory_space<hbm>>)
    %dma_start3A_88 = arith.constant 7 : i32
    %dma_start3A_89 = arith.constant 0 : i32
    %dma_start3A_90 = tpu.memref_slice %arg6[%dma_start3A_88, %dma_start3A_89] : memref<8x128xi32, #tpu.memory_space<vmem>> -> memref<1x128xi32, #tpu.memory_space<vmem>>
    %dma_start3A_91 = tpu.memref_squeeze %dma_start3A_90 : memref<1x128xi32, #tpu.memory_space<vmem>> -> memref<128xi32, #tpu.memory_space<vmem>>
    %dma_start3A_92 = arith.constant 0 : i32
    %dma_start3A_93 = arith.constant 0 : i32
    %dma_start3A_94 = tpu.memref_slice %arg3[%dma_start3A_92, %dma_start3A_93] : memref<100000x128xf32, #tpu.memory_space<hbm>> -> memref<100000x128xf32, #tpu.memory_space<hbm>>
    tpu.enqueue_indirect_dma source(%dma_start3A_94 : memref<100000x128xf32, #tpu.memory_space<hbm>>) target(%arg8 : memref<128x128xf32, #tpu.memory_space<vmem>>) offsets(%dma_start3A_91 : memref<128xi32, #tpu.memory_space<vmem>>) semaphore(%arg14 : memref<!tpu.dma_semaphore, #tpu.memory_space<semaphore_mem>>)
    %dma_wait3A_95 = arith.constant 2 : i32
    %dma_wait3A_96 = arith.constant 0 : i32
    %dma_wait3A_97 = tpu.memref_slice %arg6[%dma_wait3A_95, %dma_wait3A_96] : memref<8x128xi32, #tpu.memory_space<vmem>> -> memref<1x128xi32, #tpu.memory_space<vmem>>
    %dma_wait3A_98 = tpu.memref_squeeze %dma_wait3A_97 : memref<1x128xi32, #tpu.memory_space<vmem>> -> memref<128xi32, #tpu.memory_space<vmem>>
    %dma_wait3A_99 = arith.constant 0 : i32
    %dma_wait3A_100 = arith.constant 0 : i32
    %dma_wait3A_101 = tpu.memref_slice %arg3[%dma_wait3A_99, %dma_wait3A_100] : memref<100000x128xf32, #tpu.memory_space<hbm>> -> memref<100000x128xf32, #tpu.memory_space<hbm>>
    tpu.wait_indirect_dma semaphore(%arg15 : memref<!tpu.dma_semaphore, #tpu.memory_space<semaphore_mem>>) src(%dma_wait3A_101 : memref<100000x128xf32, #tpu.memory_space<hbm>>) dst(%arg9 : memref<128x128xf32, #tpu.memory_space<vmem>>)
    %add3A_102 = arith.constant 2 : i32
    %add3A_103 = arith.addi %mul3A_2, %add3A_102 : i32
    %mul3A_104 = arith.constant 128 : i32
    %mul3A_105 = arith.muli %add3A_103, %mul3A_104 : i32
    %dma_start3A_106 = arith.constant 512 : i32
    %dma_start3A_107 = tpu.memref_slice %arg4[%mul3A_105, %dma_start3A_106] : memref<32768x768xf32, #tpu.memory_space<hbm>> -> memref<128x128xf32, #tpu.memory_space<hbm>>
    %dma_start3A_108 = arith.constant 512 : i32
    %dma_start3A_109 = tpu.memref_slice %arg4[%mul3A_105, %dma_start3A_108] : memref<32768x768xf32, #tpu.memory_space<hbm>> -> memref<128x128xf32, #tpu.memory_space<hbm>>
    tpu.enqueue_dma source(%arg9 : memref<128x128xf32, #tpu.memory_space<vmem>>) target(%dma_start3A_109 : memref<128x128xf32, #tpu.memory_space<hbm>>) target_semaphore(%arg21 : memref<!tpu.dma_semaphore, #tpu.memory_space<semaphore_mem>>)
    %dma_wait3A_110 = arith.constant 3 : i32
    %dma_wait3A_111 = arith.constant 0 : i32
    %dma_wait3A_112 = tpu.memref_slice %arg6[%dma_wait3A_110, %dma_wait3A_111] : memref<8x128xi32, #tpu.memory_space<vmem>> -> memref<1x128xi32, #tpu.memory_space<vmem>>
    %dma_wait3A_113 = tpu.memref_squeeze %dma_wait3A_112 : memref<1x128xi32, #tpu.memory_space<vmem>> -> memref<128xi32, #tpu.memory_space<vmem>>
    %dma_wait3A_114 = arith.constant 0 : i32
    %dma_wait3A_115 = arith.constant 0 : i32
    %dma_wait3A_116 = tpu.memref_slice %arg3[%dma_wait3A_114, %dma_wait3A_115] : memref<100000x128xf32, #tpu.memory_space<hbm>> -> memref<100000x128xf32, #tpu.memory_space<hbm>>
    tpu.wait_indirect_dma semaphore(%arg16 : memref<!tpu.dma_semaphore, #tpu.memory_space<semaphore_mem>>) src(%dma_wait3A_116 : memref<100000x128xf32, #tpu.memory_space<hbm>>) dst(%arg10 : memref<128x128xf32, #tpu.memory_space<vmem>>)
    %add3A_117 = arith.constant 3 : i32
    %add3A_118 = arith.addi %mul3A_2, %add3A_117 : i32
    %mul3A_119 = arith.constant 128 : i32
    %mul3A_120 = arith.muli %add3A_118, %mul3A_119 : i32
    %dma_start3A_121 = arith.constant 512 : i32
    %dma_start3A_122 = tpu.memref_slice %arg4[%mul3A_120, %dma_start3A_121] : memref<32768x768xf32, #tpu.memory_space<hbm>> -> memref<128x128xf32, #tpu.memory_space<hbm>>
    %dma_start3A_123 = arith.constant 512 : i32
    %dma_start3A_124 = tpu.memref_slice %arg4[%mul3A_120, %dma_start3A_123] : memref<32768x768xf32, #tpu.memory_space<hbm>> -> memref<128x128xf32, #tpu.memory_space<hbm>>
    tpu.enqueue_dma source(%arg10 : memref<128x128xf32, #tpu.memory_space<vmem>>) target(%dma_start3A_124 : memref<128x128xf32, #tpu.memory_space<hbm>>) target_semaphore(%arg22 : memref<!tpu.dma_semaphore, #tpu.memory_space<semaphore_mem>>)
    %dma_wait3A_125 = arith.constant 4 : i32
    %dma_wait3A_126 = arith.constant 0 : i32
    %dma_wait3A_127 = tpu.memref_slice %arg6[%dma_wait3A_125, %dma_wait3A_126] : memref<8x128xi32, #tpu.memory_space<vmem>> -> memref<1x128xi32, #tpu.memory_space<vmem>>
    %dma_wait3A_128 = tpu.memref_squeeze %dma_wait3A_127 : memref<1x128xi32, #tpu.memory_space<vmem>> -> memref<128xi32, #tpu.memory_space<vmem>>
    %dma_wait3A_129 = arith.constant 0 : i32
    %dma_wait3A_130 = arith.constant 0 : i32
    %dma_wait3A_131 = tpu.memref_slice %arg3[%dma_wait3A_129, %dma_wait3A_130] : memref<100000x128xf32, #tpu.memory_space<hbm>> -> memref<100000x128xf32, #tpu.memory_space<hbm>>
    tpu.wait_indirect_dma semaphore(%arg17 : memref<!tpu.dma_semaphore, #tpu.memory_space<semaphore_mem>>) src(%dma_wait3A_131 : memref<100000x128xf32, #tpu.memory_space<hbm>>) dst(%arg11 : memref<128x128xf32, #tpu.memory_space<vmem>>)
    %add3A_132 = arith.constant 4 : i32
    %add3A_133 = arith.addi %mul3A_2, %add3A_132 : i32
    %mul3A_134 = arith.constant 128 : i32
    %mul3A_135 = arith.muli %add3A_133, %mul3A_134 : i32
    %dma_start3A_136 = arith.constant 512 : i32
    %dma_start3A_137 = tpu.memref_slice %arg4[%mul3A_135, %dma_start3A_136] : memref<32768x768xf32, #tpu.memory_space<hbm>> -> memref<128x128xf32, #tpu.memory_space<hbm>>
    %dma_start3A_138 = arith.constant 512 : i32
    %dma_start3A_139 = tpu.memref_slice %arg4[%mul3A_135, %dma_start3A_138] : memref<32768x768xf32, #tpu.memory_space<hbm>> -> memref<128x128xf32, #tpu.memory_space<hbm>>
    tpu.enqueue_dma source(%arg11 : memref<128x128xf32, #tpu.memory_space<vmem>>) target(%dma_start3A_139 : memref<128x128xf32, #tpu.memory_space<hbm>>) target_semaphore(%arg23 : memref<!tpu.dma_semaphore, #tpu.memory_space<semaphore_mem>>)
    %dma_wait3A_140 = arith.constant 5 : i32
    %dma_wait3A_141 = arith.constant 0 : i32
    %dma_wait3A_142 = tpu.memref_slice %arg6[%dma_wait3A_140, %dma_wait3A_141] : memref<8x128xi32, #tpu.memory_space<vmem>> -> memref<1x128xi32, #tpu.memory_space<vmem>>
    %dma_wait3A_143 = tpu.memref_squeeze %dma_wait3A_142 : memref<1x128xi32, #tpu.memory_space<vmem>> -> memref<128xi32, #tpu.memory_space<vmem>>
    %dma_wait3A_144 = arith.constant 0 : i32
    %dma_wait3A_145 = arith.constant 0 : i32
    %dma_wait3A_146 = tpu.memref_slice %arg3[%dma_wait3A_144, %dma_wait3A_145] : memref<100000x128xf32, #tpu.memory_space<hbm>> -> memref<100000x128xf32, #tpu.memory_space<hbm>>
    tpu.wait_indirect_dma semaphore(%arg18 : memref<!tpu.dma_semaphore, #tpu.memory_space<semaphore_mem>>) src(%dma_wait3A_146 : memref<100000x128xf32, #tpu.memory_space<hbm>>) dst(%arg12 : memref<128x128xf32, #tpu.memory_space<vmem>>)
    %add3A_147 = arith.constant 5 : i32
    %add3A_148 = arith.addi %mul3A_2, %add3A_147 : i32
    %mul3A_149 = arith.constant 128 : i32
    %mul3A_150 = arith.muli %add3A_148, %mul3A_149 : i32
    %dma_start3A_151 = arith.constant 512 : i32
    %dma_start3A_152 = tpu.memref_slice %arg4[%mul3A_150, %dma_start3A_151] : memref<32768x768xf32, #tpu.memory_space<hbm>> -> memref<128x128xf32, #tpu.memory_space<hbm>>
    %dma_start3A_153 = arith.constant 512 : i32
    %dma_start3A_154 = tpu.memref_slice %arg4[%mul3A_150, %dma_start3A_153] : memref<32768x768xf32, #tpu.memory_space<hbm>> -> memref<128x128xf32, #tpu.memory_space<hbm>>
    tpu.enqueue_dma source(%arg12 : memref<128x128xf32, #tpu.memory_space<vmem>>) target(%dma_start3A_154 : memref<128x128xf32, #tpu.memory_space<hbm>>) target_semaphore(%arg24 : memref<!tpu.dma_semaphore, #tpu.memory_space<semaphore_mem>>)
    %dma_wait3A_155 = arith.constant 6 : i32
    %dma_wait3A_156 = arith.constant 0 : i32
    %dma_wait3A_157 = tpu.memref_slice %arg6[%dma_wait3A_155, %dma_wait3A_156] : memref<8x128xi32, #tpu.memory_space<vmem>> -> memref<1x128xi32, #tpu.memory_space<vmem>>
    %dma_wait3A_158 = tpu.memref_squeeze %dma_wait3A_157 : memref<1x128xi32, #tpu.memory_space<vmem>> -> memref<128xi32, #tpu.memory_space<vmem>>
    %dma_wait3A_159 = arith.constant 0 : i32
    %dma_wait3A_160 = arith.constant 0 : i32
    %dma_wait3A_161 = tpu.memref_slice %arg3[%dma_wait3A_159, %dma_wait3A_160] : memref<100000x128xf32, #tpu.memory_space<hbm>> -> memref<100000x128xf32, #tpu.memory_space<hbm>>
    tpu.wait_indirect_dma semaphore(%arg13 : memref<!tpu.dma_semaphore, #tpu.memory_space<semaphore_mem>>) src(%dma_wait3A_161 : memref<100000x128xf32, #tpu.memory_space<hbm>>) dst(%arg7 : memref<128x128xf32, #tpu.memory_space<vmem>>)
    %add3A_162 = arith.constant 6 : i32
    %add3A_163 = arith.addi %mul3A_2, %add3A_162 : i32
    %mul3A_164 = arith.constant 128 : i32
    %mul3A_165 = arith.muli %add3A_163, %mul3A_164 : i32
    %dma_start3A_166 = arith.constant 512 : i32
    %dma_start3A_167 = tpu.memref_slice %arg4[%mul3A_165, %dma_start3A_166] : memref<32768x768xf32, #tpu.memory_space<hbm>> -> memref<128x128xf32, #tpu.memory_space<hbm>>
    %dma_start3A_168 = arith.constant 512 : i32
    %dma_start3A_169 = tpu.memref_slice %arg4[%mul3A_165, %dma_start3A_168] : memref<32768x768xf32, #tpu.memory_space<hbm>> -> memref<128x128xf32, #tpu.memory_space<hbm>>
    tpu.enqueue_dma source(%arg7 : memref<128x128xf32, #tpu.memory_space<vmem>>) target(%dma_start3A_169 : memref<128x128xf32, #tpu.memory_space<hbm>>) target_semaphore(%arg19 : memref<!tpu.dma_semaphore, #tpu.memory_space<semaphore_mem>>)
    %dma_wait3A_170 = arith.constant 7 : i32
    %dma_wait3A_171 = arith.constant 0 : i32
    %dma_wait3A_172 = tpu.memref_slice %arg6[%dma_wait3A_170, %dma_wait3A_171] : memref<8x128xi32, #tpu.memory_space<vmem>> -> memref<1x128xi32, #tpu.memory_space<vmem>>
    %dma_wait3A_173 = tpu.memref_squeeze %dma_wait3A_172 : memref<1x128xi32, #tpu.memory_space<vmem>> -> memref<128xi32, #tpu.memory_space<vmem>>
    %dma_wait3A_174 = arith.constant 0 : i32
    %dma_wait3A_175 = arith.constant 0 : i32
    %dma_wait3A_176 = tpu.memref_slice %arg3[%dma_wait3A_174, %dma_wait3A_175] : memref<100000x128xf32, #tpu.memory_space<hbm>> -> memref<100000x128xf32, #tpu.memory_space<hbm>>
    tpu.wait_indirect_dma semaphore(%arg14 : memref<!tpu.dma_semaphore, #tpu.memory_space<semaphore_mem>>) src(%dma_wait3A_176 : memref<100000x128xf32, #tpu.memory_space<hbm>>) dst(%arg8 : memref<128x128xf32, #tpu.memory_space<vmem>>)
    %add3A_177 = arith.constant 7 : i32
    %add3A_178 = arith.addi %mul3A_2, %add3A_177 : i32
    %mul3A_179 = arith.constant 128 : i32
    %mul3A_180 = arith.muli %add3A_178, %mul3A_179 : i32
    %dma_start3A_181 = arith.constant 512 : i32
    %dma_start3A_182 = tpu.memref_slice %arg4[%mul3A_180, %dma_start3A_181] : memref<32768x768xf32, #tpu.memory_space<hbm>> -> memref<128x128xf32, #tpu.memory_space<hbm>>
    %dma_start3A_183 = arith.constant 512 : i32
    %dma_start3A_184 = tpu.memref_slice %arg4[%mul3A_180, %dma_start3A_183] : memref<32768x768xf32, #tpu.memory_space<hbm>> -> memref<128x128xf32, #tpu.memory_space<hbm>>
    tpu.enqueue_dma source(%arg8 : memref<128x128xf32, #tpu.memory_space<vmem>>) target(%dma_start3A_184 : memref<128x128xf32, #tpu.memory_space<hbm>>) target_semaphore(%arg20 : memref<!tpu.dma_semaphore, #tpu.memory_space<semaphore_mem>>)
    %dma_wait3A_185 = arith.constant 512 : i32
    %dma_wait3A_186 = tpu.memref_slice %arg4[%mul3A_105, %dma_wait3A_185] : memref<32768x768xf32, #tpu.memory_space<hbm>> -> memref<128x128xf32, #tpu.memory_space<hbm>>
    %dma_wait3A_187 = arith.constant 512 : i32
    %dma_wait3A_188 = tpu.memref_slice %arg4[%mul3A_105, %dma_wait3A_187] : memref<32768x768xf32, #tpu.memory_space<hbm>> -> memref<128x128xf32, #tpu.memory_space<hbm>>
    tpu.wait_dma2 semaphore(%arg21 : memref<!tpu.dma_semaphore, #tpu.memory_space<semaphore_mem>>) src(%arg9 : memref<128x128xf32, #tpu.memory_space<vmem>>) dst(%dma_wait3A_188 : memref<128x128xf32, #tpu.memory_space<hbm>>)
    %dma_wait3A_189 = arith.constant 512 : i32
    %dma_wait3A_190 = tpu.memref_slice %arg4[%mul3A_120, %dma_wait3A_189] : memref<32768x768xf32, #tpu.memory_space<hbm>> -> memref<128x128xf32, #tpu.memory_space<hbm>>
    %dma_wait3A_191 = arith.constant 512 : i32
    %dma_wait3A_192 = tpu.memref_slice %arg4[%mul3A_120, %dma_wait3A_191] : memref<32768x768xf32, #tpu.memory_space<hbm>> -> memref<128x128xf32, #tpu.memory_space<hbm>>
    tpu.wait_dma2 semaphore(%arg22 : memref<!tpu.dma_semaphore, #tpu.memory_space<semaphore_mem>>) src(%arg10 : memref<128x128xf32, #tpu.memory_space<vmem>>) dst(%dma_wait3A_192 : memref<128x128xf32, #tpu.memory_space<hbm>>)
    %dma_wait3A_193 = arith.constant 512 : i32
    %dma_wait3A_194 = tpu.memref_slice %arg4[%mul3A_135, %dma_wait3A_193] : memref<32768x768xf32, #tpu.memory_space<hbm>> -> memref<128x128xf32, #tpu.memory_space<hbm>>
    %dma_wait3A_195 = arith.constant 512 : i32
    %dma_wait3A_196 = tpu.memref_slice %arg4[%mul3A_135, %dma_wait3A_195] : memref<32768x768xf32, #tpu.memory_space<hbm>> -> memref<128x128xf32, #tpu.memory_space<hbm>>
    tpu.wait_dma2 semaphore(%arg23 : memref<!tpu.dma_semaphore, #tpu.memory_space<semaphore_mem>>) src(%arg11 : memref<128x128xf32, #tpu.memory_space<vmem>>) dst(%dma_wait3A_196 : memref<128x128xf32, #tpu.memory_space<hbm>>)
    %dma_wait3A_197 = arith.constant 512 : i32
    %dma_wait3A_198 = tpu.memref_slice %arg4[%mul3A_150, %dma_wait3A_197] : memref<32768x768xf32, #tpu.memory_space<hbm>> -> memref<128x128xf32, #tpu.memory_space<hbm>>
    %dma_wait3A_199 = arith.constant 512 : i32
    %dma_wait3A_200 = tpu.memref_slice %arg4[%mul3A_150, %dma_wait3A_199] : memref<32768x768xf32, #tpu.memory_space<hbm>> -> memref<128x128xf32, #tpu.memory_space<hbm>>
    tpu.wait_dma2 semaphore(%arg24 : memref<!tpu.dma_semaphore, #tpu.memory_space<semaphore_mem>>) src(%arg12 : memref<128x128xf32, #tpu.memory_space<vmem>>) dst(%dma_wait3A_200 : memref<128x128xf32, #tpu.memory_space<hbm>>)
    %dma_wait3A_201 = arith.constant 512 : i32
    %dma_wait3A_202 = tpu.memref_slice %arg4[%mul3A_165, %dma_wait3A_201] : memref<32768x768xf32, #tpu.memory_space<hbm>> -> memref<128x128xf32, #tpu.memory_space<hbm>>
    %dma_wait3A_203 = arith.constant 512 : i32
    %dma_wait3A_204 = tpu.memref_slice %arg4[%mul3A_165, %dma_wait3A_203] : memref<32768x768xf32, #tpu.memory_space<hbm>> -> memref<128x128xf32, #tpu.memory_space<hbm>>
    tpu.wait_dma2 semaphore(%arg19 : memref<!tpu.dma_semaphore, #tpu.memory_space<semaphore_mem>>) src(%arg7 : memref<128x128xf32, #tpu.memory_space<vmem>>) dst(%dma_wait3A_204 : memref<128x128xf32, #tpu.memory_space<hbm>>)
    %dma_wait3A_205 = arith.constant 512 : i32
    %dma_wait3A_206 = tpu.memref_slice %arg4[%mul3A_180, %dma_wait3A_205] : memref<32768x768xf32, #tpu.memory_space<hbm>> -> memref<128x128xf32, #tpu.memory_space<hbm>>
    %dma_wait3A_207 = arith.constant 512 : i32
    %dma_wait3A_208 = tpu.memref_slice %arg4[%mul3A_180, %dma_wait3A_207] : memref<32768x768xf32, #tpu.memory_space<hbm>> -> memref<128x128xf32, #tpu.memory_space<hbm>>
    tpu.wait_dma2 semaphore(%arg20 : memref<!tpu.dma_semaphore, #tpu.memory_space<semaphore_mem>>) src(%arg8 : memref<128x128xf32, #tpu.memory_space<vmem>>) dst(%dma_wait3A_208 : memref<128x128xf32, #tpu.memory_space<hbm>>)
    return
  }
}

module attributes {stable_mosaic.version = 14 : i64} {
  func.func @_tc_body(%arg0: i32, %arg1: memref<2048x768xf32, #tpu.memory_space<vmem>>, %arg2: memref<768x512xf32, #tpu.memory_space<vmem>>, %arg3: memref<1x512xf32, #tpu.memory_space<vmem>>, %arg4: memref<2048x1xi32, #tpu.memory_space<vmem>>, %arg5: memref<2x128xf32, #tpu.memory_space<vmem>>, %arg6: memref<2048x768xf32, #tpu.memory_space<vmem>>) attributes {dimension_semantics = [#tpu.dimension_semantics<arbitrary>], iteration_bounds = array<i64: 16>, scalar_prefetch = 0 : i64, scratch_operands = 0 : i64, tpu.core_type = #tpu.core_type<tc>, window_params = [{transform_indices = @transform_0, window_bounds = array<i64: 2048, 768>}, {pipeline_mode = #tpu.pipeline_mode<synchronous>, transform_indices = @transform_1, window_bounds = array<i64: 768, 512>}, {pipeline_mode = #tpu.pipeline_mode<synchronous>, transform_indices = @transform_2, window_bounds = array<i64: 1, 512>}, {transform_indices = @transform_3, window_bounds = array<i64: 2048, 1>}, {pipeline_mode = #tpu.pipeline_mode<synchronous>, transform_indices = @transform_4, window_bounds = array<i64: 2, 128>}, {transform_indices = @transform_5, window_bounds = array<i64: 2048, 768>}]} {
    %get3A = arith.constant 0 : index
    %get3A_0 = arith.constant 0 : index
    %get3A_1 = vector.load %arg1[%get3A, %get3A_0] : memref<2048x768xf32, #tpu.memory_space<vmem>>, vector<2048x768xf32>
    %get3A_2 = arith.constant 0 : index
    %get3A_3 = arith.constant 0 : index
    %get3A_4 = vector.load %arg2[%get3A_2, %get3A_3] : memref<768x512xf32, #tpu.memory_space<vmem>>, vector<768x512xf32>
    %dot_general3A = arith.constant dense<0.000000e+00> : vector<2048x512xf32>
    %dot_general3A_5 = tpu.matmul %get3A_1, %get3A_4, %dot_general3A {dimension_numbers = #tpu.dot_dimension_numbers<[1], [0], [0], [1], [0, 0, 1, 1], [], []>, transpose_lhs_hint = false} : vector<2048x768xf32>, vector<768x512xf32>, vector<2048x512xf32> -> vector<2048x512xf32>
    %get3A_6 = arith.constant 0 : index
    %get3A_7 = arith.constant 0 : index
    %get3A_8 = vector.load %arg3[%get3A_6, %get3A_7] : memref<1x512xf32, #tpu.memory_space<vmem>>, vector<1x512xf32>
    %add3A = vector.broadcast %get3A_8 : vector<1x512xf32> to vector<2048x512xf32>
    %add3A_9 = arith.addf %dot_general3A_5, %add3A : vector<2048x512xf32>
    %swap3A = arith.constant 0 : index
    %swap3A_10 = arith.constant 0 : index
    %swap3A_11 = vector.load %arg6[%swap3A, %swap3A_10] : memref<2048x768xf32, #tpu.memory_space<vmem>>, vector<2048x512xf32>
    tpu.vector_store %arg6[%swap3A, %swap3A_10], %add3A_9 {strides = array<i32>} : memref<2048x768xf32, #tpu.memory_space<vmem>>, vector<2048x512xf32>,
    %get3A_12 = arith.constant 0 : index
    %get3A_13 = arith.constant 0 : index
    %get3A_14 = vector.load %arg4[%get3A_12, %get3A_13] : memref<2048x1xi32, #tpu.memory_space<vmem>>, vector<2048x1xi32>
    %eq3A = arith.constant 0 : i32
    %eq3A_15 = vector.broadcast %eq3A : i32 to vector<2048x1xi32>
    %eq3A_16 = arith.cmpi eq, %get3A_14, %eq3A_15 : vector<2048x1xi32>
    %get3A_17 = arith.constant 0 : index
    %get3A_18 = arith.constant 0 : index
    %get3A_19 = vector.load %arg5[%get3A_17, %get3A_18] : memref<2x128xf32, #tpu.memory_space<vmem>>, vector<1x128xf32>
    %get3A_20 = arith.constant 1 : index
    %get3A_21 = arith.constant 0 : index
    %get3A_22 = vector.load %arg5[%get3A_20, %get3A_21] : memref<2x128xf32, #tpu.memory_space<vmem>>, vector<1x128xf32>
    %broadcast_in_dim3A = vector.shape_cast %eq3A_16 : vector<2048x1xi1> to vector<2048x1xi1>
    %broadcast_in_dim3A_23 = vector.broadcast %broadcast_in_dim3A : vector<2048x1xi1> to vector<2048x128xi1>
    %broadcast_in_dim3A_24 = vector.shape_cast %get3A_19 : vector<1x128xf32> to vector<1x128xf32>
    %broadcast_in_dim3A_25 = vector.broadcast %broadcast_in_dim3A_24 : vector<1x128xf32> to vector<2048x128xf32>
    %broadcast_in_dim3A_26 = vector.shape_cast %get3A_22 : vector<1x128xf32> to vector<1x128xf32>
    %broadcast_in_dim3A_27 = vector.broadcast %broadcast_in_dim3A_26 : vector<1x128xf32> to vector<2048x128xf32>
    %select_n3A = arith.select %broadcast_in_dim3A_23, %broadcast_in_dim3A_25, %broadcast_in_dim3A_27 : vector<2048x128xi1>, vector<2048x128xf32>
    %swap3A_28 = arith.constant 0 : index
    %swap3A_29 = arith.constant 640 : index
    %swap3A_30 = vector.load %arg6[%swap3A_28, %swap3A_29] : memref<2048x768xf32, #tpu.memory_space<vmem>>, vector<2048x128xf32>
    tpu.vector_store %arg6[%swap3A_28, %swap3A_29], %select_n3A {strides = array<i32>} : memref<2048x768xf32, #tpu.memory_space<vmem>>, vector<2048x128xf32>,
    return
  }
  func.func @transform_0(%arg0: i32) -> (i32, i32) {
    %c0_i32 = arith.constant 0 : i32
    %c0_i32_0 = arith.constant 0 : i32
    return %arg0, %c0_i32 : i32, i32
  }
  func.func @transform_1(%arg0: i32) -> (i32, i32) {
    %c0_i32 = arith.constant 0 : i32
    %c0_i32_0 = arith.constant 0 : i32
    %c0_i32_1 = arith.constant 0 : i32
    return %c0_i32, %c0_i32_0 : i32, i32
  }
  func.func @transform_2(%arg0: i32) -> (i32, i32) {
    %c0_i32 = arith.constant 0 : i32
    %c0_i32_0 = arith.constant 0 : i32
    %c0_i32_1 = arith.constant 0 : i32
    return %c0_i32, %c0_i32_0 : i32, i32
  }
  func.func @transform_3(%arg0: i32) -> (i32, i32) {
    %c0_i32 = arith.constant 0 : i32
    %c0_i32_0 = arith.constant 0 : i32
    return %arg0, %c0_i32 : i32, i32
  }
  func.func @transform_4(%arg0: i32) -> (i32, i32) {
    %c0_i32 = arith.constant 0 : i32
    %c0_i32_0 = arith.constant 0 : i32
    %c0_i32_1 = arith.constant 0 : i32
    return %c0_i32, %c0_i32_0 : i32, i32
  }
  func.func @transform_5(%arg0: i32) -> (i32, i32) {
    %c0_i32 = arith.constant 0 : i32
    %c0_i32_0 = arith.constant 0 : i32
    return %arg0, %c0_i32 : i32, i32
  }
}

</mosaic_0001>

<sc_bundles>
// kernel: kernel.4.cloned.1.call-start
scs
__scs_entry_jumppad:
0x0: {  	(pc) =	sbr.rel $0x88, $3  }
0x1: {  	(tag) =	ssettag $0x0;
	lr =	simm.s32 $0x1  }
0x2: {  	[smem:$0x3F9A] =	sst lr;
	_ =	strace $0xD0000000  }
0x3: {  	_ = 	snop  }
0x4: {  	_ = 	snop  }
0x5: {  	_ = 	snop  }
0x6: {  	_ = 	snop  }
0x7: {  	_ = 	snop  }
__scs_overlays_trampoline_lowered:
0x8: {  	[smem:$0x3FA9] =	sst s0  }
0x9: {  	[smem:$0x3FAA] =	sst s1  }
0xa: {  	[smem:$0x3FAB] =	sst s2  }
0xb: {  	[smem:$0x3FAC] =	sst s3  }
0xc: {  	[smem:$0x3FAD] =	sst s4  }
0xd: {  	[smem:$0x3FAE] =	sst s5  }
0xe: {  	[smem:$0x3FAF] =	sst s6  }
0xf: {  	[smem:$0x3FB0] =	sst s7  }
0x10: {  	[smem:$0x3FB1] =	sst s8  }
0x11: {  	[smem:$0x3FB2] =	sst s9;
	s0 =	simm.s32 @!p0 $0x0  }
0x12: {  	s1 =	sld [smem:$0x3F98];
	s0 =	simm.s32 @p0 $0x1  }
0x13: {  	[smem:$0x3FB3] =	sst s0;
	s0 =	simm.s32 @!p1 $0x0  }
0x14: {  	s2 =	sld [smem:$0x3F97];
	s0 =	simm.s32 @p1 $0x1  }
0x15: {  	[smem:$0x3FB4] =	sst s0;
	s0 =	simm.s32 @!p2 $0x0  }
0x16: {  	s3 =	sld [smem:$0x3FDB];
	s0 =	simm.s32 @p2 $0x1  }
0x17: {  	s4 =	simm.s32 $0x1BF5;
	[smem:$0x3FB6] =	sst s0  }
0x18: {  	s0 =	sld [smem:$0x3F99];
	_ =	swait.ge [sflag:s4], $0x0  }
0x19: {  	s7 =	sld [smem:$0x3F9A]  }
0x1a: {  	s8 =	sadd.s32 $0xFFFFE003, lr  }
0x1b: {  	s9 =	sadd.s32 $0xFFFFFEF7, lr;
	s5 =	simm.s32 $0xFFFFFFFF;
	p2 =	slt.u32 s8, $0xFFFFF086  }
0x1c: {  	p1 =	slt.u32 s9, $0xF7A;
	s5 =	simm.s32 @!p2 $0x0  }
0x1d: {  	s5 =	simm.s32 @p1 $0x1;
	p0 =	seq.s32 s7, s2  }
0x1e: {  	s7 =	smul.u32 @!p0 $0xF7A, s2;
	p2 =	seq.s32 @!p0 s5, $0x0  }
0x1f: {  	s9 =	smul.u32 $0xF7A, s1;
	s8 =	simm.s32 @!p0 $0x1BF5;
	p2 =	por !p2, p0  }
0x20: {  	[sflag:s8] =	ssyncset.s32 @!p0 $0xFFFFF086;
	s6 =	sadd.s32 @!p0 s3, s7;
	s7 =	simm.s32 @!p0 $0x108  }
0x21: {  	s3 =	sadd.s32 s3, s9;
	s6 =	sadd.s32 @!p0 $0x88, s6;
	s7 =	simm.s32 @p2 $0x1082  }
0x22: {  	[simem:s7], [sflag:s8] =	dma.local @!p0 [hbm:s6], $0xF7A  }
0x23: {  	s9 =	sor.u32 $0xD0000000, s2;
	s6 =	simm.s32 $0x108;
	_ =	swait.ge @!p0 [sflag:s8], $0x0  }
0x24: {  	s3 =	sadd.s32 $0x88, s3;
	s6 =	simm.s32 @!p1 $0x1082;
	[sflag:s4] =	ssyncset.s32 $0xFFFFF086  }
0x25: {  	[simem:s6], [sflag:s4] =	dma.local [hbm:s3], $0xF7A  }
0x26: {  	[smem:$0x3F9A] =	sst s1;
	(tag) =	ssettag s2;
	_ =	strace s9  }
0x27: {  	s1 =	sld [smem:$0x3FAA]  }
0x28: {  	s2 =	sld [smem:$0x3FAB]  }
0x29: {  	s4 =	sld [smem:$0x3FAD]  }
0x2a: {  	p0 =	seq.s32 s5, $0x0;
	s5 =	sld [smem:$0x3FAE]  }
0x2b: {  	s6 =	sld [smem:$0x3FAF]  }
0x2c: {  	s7 =	sld [smem:$0x3FB0]  }
0x2d: {  	s3 =	simm.s32 $0x108;
	s8 =	sld [smem:$0x3FB1]  }
0x2e: {  	s3 =	simm.s32 @!p0 $0x1082;
	s9 =	sld [smem:$0x3FB2]  }
0x2f: {  	lr =	sadd.s32 s0, s3;
	s0 =	sld [smem:$0x3FA9]  }
0x30: {  	s3 =	sld [smem:$0x3FAC]  }
0x31: {  	[smem:$0x3FB5] =	sst s10  }
0x32: {  	s10 =	sld [smem:$0x3FB3];
	_ =	sdelay $0x3  }
0x33: {  	p0 =	seq.s32 s10, $0x1;
	s10 =	sld [smem:$0x3FB5];
	_ =	sdelay $0x3  }
0x34: {  	[smem:$0x3FB5] =	sst s10  }
0x35: {  	s10 =	sld [smem:$0x3FB4];
	_ =	sdelay $0x3  }
0x36: {  	p1 =	seq.s32 s10, $0x1;
	s10 =	sld [smem:$0x3FB5];
	_ =	sdelay $0x3  }
0x37: {  	[smem:$0x3FB5] =	sst s10  }
0x38: {  	s10 =	sld [smem:$0x3FB6]  }
0x39: {  	_ = 	snop;
	(pc) =	sbr.ind lr, $3  }
0x3a: {  	_ = 	snop  }
0x3b: {  	_ = 	snop  }
0x3c: {  	p2 =	seq.s32 s10, $0x1;
	s10 =	sld [smem:$0x3FB5]  }
0x3d: {  	_ =	shalt  }
0x3e: {  	_ =	shalt  }
0x3f: {  	_ =	shalt  }
0x40: {  	_ =	shalt  }
0x41: {  	_ =	shalt  }
0x42: {  	_ =	shalt  }
0x43: {  	_ =	shalt  }
0x44: {  	_ =	shalt  }
0x45: {  	_ =	shalt  }
0x46: {  	_ =	shalt  }
0x47: {  	_ =	shalt  }
0x48: {  	_ =	shalt  }
0x49: {  	_ =	shalt  }
0x4a: {  	_ =	shalt  }
0x4b: {  	_ =	shalt  }
0x4c: {  	_ =	shalt  }
0x4d: {  	_ =	shalt  }
0x4e: {  	_ =	shalt  }
0x4f: {  	_ =	shalt  }
0x50: {  	_ =	shalt  }
0x51: {  	_ =	shalt  }
0x52: {  	_ =	shalt  }
0x53: {  	_ =	shalt  }
0x54: {  	_ =	shalt  }
0x55: {  	_ =	shalt  }
0x56: {  	_ =	shalt  }
0x57: {  	_ =	shalt  }
0x58: {  	_ =	shalt  }
0x59: {  	_ =	shalt  }
0x5a: {  	_ =	shalt  }
0x5b: {  	_ =	shalt  }
0x5c: {  	_ =	shalt  }
0x5d: {  	_ =	shalt  }
0x5e: {  	_ =	shalt  }
0x5f: {  	_ =	shalt  }
0x60: {  	_ =	shalt  }
0x61: {  	_ =	shalt  }
0x62: {  	_ =	shalt  }
0x63: {  	_ =	shalt  }
0x64: {  	_ =	shalt  }
0x65: {  	_ =	shalt  }
0x66: {  	_ =	shalt  }
0x67: {  	_ =	shalt  }
0x68: {  	_ =	shalt  }
0x69: {  	_ =	shalt  }
0x6a: {  	_ =	shalt  }
0x6b: {  	_ =	shalt  }
0x6c: {  	_ =	shalt  }
0x6d: {  	_ =	shalt  }
0x6e: {  	_ =	shalt  }
0x6f: {  	_ =	shalt  }
0x70: {  	_ =	shalt  }
0x71: {  	_ =	shalt  }
0x72: {  	_ =	shalt  }
0x73: {  	_ =	shalt  }
0x74: {  	_ =	shalt  }
0x75: {  	_ =	shalt  }
0x76: {  	_ =	shalt  }
0x77: {  	_ =	shalt  }
0x78: {  	_ =	shalt  }
0x79: {  	_ =	shalt  }
0x7a: {  	_ =	shalt  }
0x7b: {  	_ =	shalt  }
0x7c: {  	_ =	shalt  }
0x7d: {  	_ =	shalt  }
0x7e: {  	_ =	shalt  }
0x7f: {  	_ =	shalt  }
0x80: {  	_ =	shalt  }
0x81: {  	_ =	shalt  }
0x82: {  	_ =	shalt  }
0x83: {  	_ =	shalt  }
0x84: {  	_ =	shalt  }
0x85: {  	_ =	shalt  }
0x86: {  	_ =	shalt  }
0x87: {  	_ =	shalt  }
.Lfunc_end0:
.L_simem_size_0:
called_computation_lowered:
.L_overlay_start_0:
0x88: {  	s2 =	sld [smem:$0x3FD9]  }
0x89: {  	s3 =	sld [smem:$0x3FFE];
	_ =	sdelay $0x1  }
0x8a: {  	s1 =	srdreg.scid  }
0x8b: {  	s0 =	sand.u32 $0x1, s1  }
0x8c: {  	s17 =	sshll.u32 s0, $0xA;
	s2 =	sadd.s32 s3, s2  }
0x8d: {  	s2 =	sadd.s32 s2, s17  }
0x8e: {  	[smem:$0x3FC1] =	sst s2  }
0x8f: {  	_ = 	snop  }
0x90: {  	s2 =	sld [smem:$0x3FC6]  }
0x91: {  	s18 =	sld [smem:$0x3FD0];
	(tm) =	ssettm $0x1  }
0x92: {  	s4 =	sld [smem:$0x3FFB];
	_ =	sdelay $0x3  }
0x93: {  	_ =	strace s4  }
0x94: {  	s4 =	sld [smem:$0x3FFC];
	_ =	sdelay $0x3  }
0x95: {  	_ =	strace s4  }
0x96: {  	s4 =	sld [smem:$0x3FFD];
	_ =	sdelay $0x3  }
0x97: {  	_ =	strace s4  }
0x98: {  	_ =	strace $0x8FFFFFFF  }
0x99: {  	s19 =	sld [smem:$0x3FDB];
	_ =	sdelay $0x1  }
0x9a: {  	s5 =	simm.s32 $_scs_section_size  }
0x9b: {  	s6 =	simm.s32 $_size__tile_overlayer_lowered;
	s7 =	simm.s32 $_tile_overlayer_lowered  }
0x9c: {  	s22 =	simm.s32 $0x1BFF;
	s21 =	sshll.u32 s7, $0x1;
	s4 =	sadd.s32 s5, s19  }
0x9d: {  	s8 =	simm.s32 $0x0;
	s20 =	sshll.u32 s6, $0x1;
	s6 =	sadd.s32 s21, s4  }
0x9e: {  	[timem:s8], [sflag:s22] =	dma.local [hbm:s6], s20  }
0x9f: {  	_ =	swait.ge [sflag:s22], s20  }
0xa0: {  	s5 =	ssub.s32 $0x0, s20;
	[sflag:s22] =	ssyncset.done $0x0  }
0xa1: {  	[sflag:s22] =	ssyncadd.s32 s5;
	_ =	sdelay $0x1  }
0xa2: {  	s23 =	simm.s32 $0x1B8B  }
0xa3: {  	_ =	swait.ge [sflag:s23], $0x1  }
0xa4: {  	[sflag:s23] =	ssyncset.done $0x0  }
0xa5: {  	s25 =	simm.s32 $0x1B8E;
	s24 =	sld [smem:$0x3FFE];
	[sflag:s23] =	ssyncadd.s32 $0xFFFFFFFF  }
0xa6: {  	s26 =	simm.s32 $execute0_lowered;
	[smem:$0x3FD2] =	sst s25  }
0xa7: {  	s6 =	sshll.u32 s26, $0x1;
	_ =	strace $0x80000046;
	[dreg:$0x1] =	wrdreg $0xFFFFFFFF  }
0xa8: {  	s28 =	simm.s32 $_size_execute0_lowered;
	s4 =	sadd.s32 s4, s6;
	[dreg:$0x0] =	wrdreg $0x0  }
0xa9: {  	s6 =	sshll.u32 s28, $0x1;
	[dreg:$0x2] =	wrdreg s4  }
0xaa: {  	[dreg:$0x3] =	wrdreg s6  }
0xab: {  	[dreg:$0x4] =	wrdreg $0xC0  }
0xac: {  	_ =	task [dreg:s8], $0x5FFFF  }
0xad: {  	[dreg:$0x1] =	wrdreg $0xFFFFFFFF  }
0xae: {  	[dreg:$0x0] =	wrdreg $0x60  }
0xaf: {  	[dreg:$0x2] =	wrdreg s24  }
0xb0: {  	[dreg:$0x3] =	wrdreg s2  }
0xb1: {  	[dreg:$0x4] =	wrdreg s18  }
0xb2: {  	[dreg:$0x5] =	wrdreg $0x9  }
0xb3: {  	_ =	task.clear_ibuf [dreg:s8], $0x6FFFF;
	_ =	strace $0x90000046  }
0xb4: {  	s29 =	simm.s32 $0x9;
	_ =	strace $0x80000048  }
0xb5: {  	_ =	swait.ge [sflag:s29], $0x1  }
0xb6: {  	[sflag:s29] =	ssyncadd.s32 $0xFFFFFFFF  }
0xb7: {  	_ =	strace $0x90000048  }
0xb8: {  	_ =	sfence  }
0xb9: {  	s30 =	sld [smem:$0x0];
	_ =	sdelay $0x2  }
0xba: {  	s31 =	sshll.u32 s1, $0xD;
	s1 =	sshrl.u32 s1, $0x2  }
0xbb: {  	s3 =	sand.u32 $0x4000, s31;
	s1 =	sadd.s32 s1, s30  }
0xbc: {  	s0 =	sor.u32 s3, s0;
	s1 =	sshll.u32 s1, $0x11  }
0xbd: {  	s0 =	sor.u32 s1, s0  }
0xbe: {  	s0 =	sadd.s32 $0x8F2B, s0  }
0xbf: {  	[sflag:s0] =	ssyncadd.remote.s32 $0x1  }
0xc0: {  	_ =	sfence.sel $0xFFFF  }
0xc1: {  	[dreg:$0x0] =	wrdreg $0xFFFFFFFF;
	(pc) =	sbr.abs _section_cstart, $3  }
0xc2: {  	[dreg:$0x1] =	wrdreg $0xFFFFFFFF  }
0xc3: {  	_ =	task.clear_ibuf [dreg:s8], $0x2FFFF;
	_ =	strace $0x9FFFFFFF  }
0xc4: {  	(tm) =	ssettm $0x7FFFFFFF  }
0xc5: {  	_ =	shalt  }
tec
execute0_lowered:
.L_overlay_start_1:
0x0: {  	(tag) =	ssettag $0x1  }
0x1: {  	s0 =	rddreg [dreg:$0x0]  }
0x2: {  	s1 =	srdreg.scid;
	s2 =	rddreg [dreg:$0x1]  }
0x3: {  	s4 =	stileid.u32;
	s3 =	rddreg [dreg:$0x2];
	s12 =	simm.s32 $0x0  }
0x4: {  	s25 =	simm.s32 $0xD;
	s6 =	simm.s32 $0x4400;
	s28 =	simm.s32 $0x100  }
0x5: {  	s29 =	simm.s32 $0x180;
	s30 =	simm.s32 $0x200;
	s31 =	simm.s32 $0x280  }
0x6: {  	s10 =	simm.s32 $0x1;
	s7 =	simm.s32 $0x1800;
	s26 =	simm.s32 $0x300  }
0x7: {  	s8 =	simm.s32 $0x2;
	s24 =	simm.s32 $0x380;
	s23 =	simm.s32 $0x3  }
0x8: {  	s22 =	simm.s32 $0x4;
	p0 =	por $0x0, $0x0;
	s1 =	sand.u32 $0x1, s1  }
0x9: {  	s9 =	simm.s32 $0xC;
	s4 =	sshll.u32 s4, $0x8;
	s5 =	sshll.u32 s1, $0x7  }
0xa: {  	[smem:$0x7FF] =	sst s12;
	s1 =	ssub.s32 $0x2, s1;
	s4 =	sor.u32 s5, s4  }
0xb: {  	_ =	strace $0x80000047;
	s18 =	sshrl.u32 s1, $0x1;
	s5 =	smul.u32 $0x300, s4  }
0xc: {  	s0 =	sadd.s32 s4, s0;
	s4 =	smul.u32 $0x1800, s4;
	s1 =	ssub.s32 s1, s18  }
0xd: {  	s18 =	simm.s32 $0x8400;
	s0 =	sadd.s32 $0xA00, s0;
	s21 =	smax.u32 s1, $0x1  }
0xe: {  	s5 =	sadd.s32 s5, s3;
	[dreg:$0x4] =	wrdreg s0;
	s4 =	sshrl.u32 s4, $0x3  }
0xf: {  	p1 =	sne.s32 s21, $0x1;
	s1 =	sadd.s32 $0xFFFFFFFF, s21;
	s21 =	simm.s32 $0x5  }
0x10: {  	s11 =	sadd.s32 $0x200, s5;
	s13 =	sadd.s32 $0x3200, s5;
	s0 =	rddreg [dreg:$0x4]  }
0x11: {  	s14 =	sadd.s32 $0x6200, s5;
	s3 =	sadd.s32 s3, s4;
	[dreg:$0x5] =	wrdreg s11  }
0x12: {  	s5 =	simm.s32 $0x400;
	s4 =	simm.s32 $0x8;
	[dreg:$0x6] =	wrdreg s13  }
0x13: {  	[dreg:$0x7] =	wrdreg s14;
	s15 =	sadd.s32 $0x9200, s3;
	s16 =	sadd.s32 $0xC200, s3  }
0x14: {  	s17 =	sadd.s32 $0xF200, s3;
	s19 =	sadd.s32 $0x12200, s3;
	[dreg:$0x8] =	wrdreg s15  }
.Ltmp0:
0x15: {  	s20 =	sadd.s32 $0x15200, s3;
	[dreg:$0x9] =	wrdreg s16;
	(pc) =	sbr.rel @!p1 .LBB2_3-.Ltmp0, $4  }
0x16: {  	s13 =	simm.s32 $0x14400;
	s3 =	simm.s32 $0x7;
	[dreg:$0xa] =	wrdreg s17  }
0x17: {  	s14 =	simm.s32 $0xA;
	s11 =	simm.s32 $0xB;
	[dreg:$0xb] =	wrdreg s19  }
0x18: {  	[dreg:$0xc] =	wrdreg s20;
	s19 =	simm.s32 $0x80;
	s17 =	simm.s32 $0xC400  }
0x19: {  	s16 =	simm.s32 $0x10400;
	s20 =	simm.s32 $0x6;
	s15 =	simm.s32 $0x9  }
0x1a: {  	[tilespmem:s12], [sflag:$0xD] =	stream.linear.gather [hbm4b:s0+s12], $0x400, $0x38;
	[tilespmem:$0x18400] =	vst v63  }
0x1b: {  	_ =	swait.ge [sflag:s25], $0x400  }
0x1c: {  	[sflag:s25] =	ssyncset.done $0x0  }
0x1d: {  	[sflag:s25] =	ssyncadd.s32 $0xFFFFFC00  }
0x1e: {  	[tilespmem:s5], [sflag:$0x1] =	stream.indirect.gather [hbm4b:s2+s19], $0x80, s12, s19, $0xb8;
	[tilespmem:$0x18400] =	vst v63  }
0x1f: {  	_ = 	snop  }
0x20: {  	[tilespmem:s6], [sflag:$0x2] =	stream.indirect.gather [hbm4b:s2+s19], $0x80, s19, s19, $0xb8;
	[tilespmem:$0x18400] =	vst v63  }
0x21: {  	_ = 	snop  }
0x22: {  	[tilespmem:s18], [sflag:$0x3] =	stream.indirect.gather [hbm4b:s2+s19], $0x80, s28, s19, $0xb8;
	[tilespmem:$0x18400] =	vst v63  }
0x23: {  	_ = 	snop  }
0x24: {  	[tilespmem:s17], [sflag:$0x4] =	stream.indirect.gather [hbm4b:s2+s19], $0x80, s29, s19, $0xb8;
	[tilespmem:$0x18400] =	vst v63  }
0x25: {  	_ = 	snop  }
0x26: {  	[tilespmem:s16], [sflag:$0x5] =	stream.indirect.gather [hbm4b:s2+s19], $0x80, s30, s19, $0xb8;
	[tilespmem:$0x18400] =	vst v63  }
0x27: {  	_ = 	snop  }
0x28: {  	[tilespmem:s13], [sflag:$0x6] =	stream.indirect.gather [hbm4b:s2+s19], $0x80, s31, s19, $0xb8;
	[tilespmem:$0x18400] =	vst v63  }
0x29: {  	_ =	swait.ge [sflag:s10], $0x4000  }
0x2a: {  	[sflag:s10] =	ssyncset.done $0x0  }
0x2b: {  	s0 =	rddreg [dreg:$0x5];
	[sflag:s10] =	ssyncadd.s32 $0xFFFFC000  }
0x2c: {  	[hbm4b:s0+s5] =	stream.strided.scatter [tilespmem:s5], [sflag:$0x7], $0x4000, s7, s5, $0x38;
	[tilespmem:$0x18400] =	vst v63  }
0x2d: {  	_ =	swait.ge [sflag:s3], $0x4000  }
0x2e: {  	[sflag:s3] =	ssyncset.done $0x0  }
0x2f: {  	[sflag:s3] =	ssyncadd.s32 $0xFFFFC000  }
0x30: {  	[tilespmem:s5], [sflag:$0x1] =	stream.indirect.gather [hbm4b:s2+s19], $0x80, s26, s19, $0xb8;
	[tilespmem:$0x18400] =	vst v63  }
0x31: {  	_ =	swait.ge [sflag:s8], $0x4000  }
0x32: {  	[sflag:s8] =	ssyncset.done $0x0  }
0x33: {  	s0 =	rddreg [dreg:$0x6];
	[sflag:s8] =	ssyncadd.s32 $0xFFFFC000  }
0x34: {  	[hbm4b:s0+s5] =	stream.strided.scatter [tilespmem:s6], [sflag:$0x8], $0x4000, s7, s5, $0x38;
	[tilespmem:$0x18400] =	vst v63  }
0x35: {  	_ =	swait.ge [sflag:s4], $0x4000  }
0x36: {  	[sflag:s4] =	ssyncset.done $0x0  }
0x37: {  	[sflag:s4] =	ssyncadd.s32 $0xFFFFC000  }
0x38: {  	[tilespmem:s6], [sflag:$0x2] =	stream.indirect.gather [hbm4b:s2+s19], $0x80, s24, s19, $0xb8;
	[tilespmem:$0x18400] =	vst v63  }
0x39: {  	_ =	swait.ge [sflag:s23], $0x4000  }
0x3a: {  	[sflag:s23] =	ssyncset.done $0x0  }
0x3b: {  	s0 =	rddreg [dreg:$0x7];
	[sflag:s23] =	ssyncadd.s32 $0xFFFFC000  }
0x3c: {  	[hbm4b:s0+s5] =	stream.strided.scatter [tilespmem:s18], [sflag:$0x9], $0x4000, s7, s5, $0x38;
	[tilespmem:$0x18400] =	vst v63  }
0x3d: {  	_ =	swait.ge [sflag:s22], $0x4000  }
0x3e: {  	[sflag:s22] =	ssyncset.done $0x0  }
0x3f: {  	s0 =	rddreg [dreg:$0x8];
	[sflag:s22] =	ssyncadd.s32 $0xFFFFC000  }
0x40: {  	[hbm4b:s0+s5] =	stream.strided.scatter [tilespmem:s17], [sflag:$0xA], $0x4000, s7, s5, $0x38;
	[tilespmem:$0x18400] =	vst v63  }
0x41: {  	_ =	swait.ge [sflag:s21], $0x4000  }
0x42: {  	[sflag:s21] =	ssyncset.done $0x0  }
0x43: {  	s0 =	rddreg [dreg:$0x9];
	[sflag:s21] =	ssyncadd.s32 $0xFFFFC000  }
0x44: {  	[hbm4b:s0+s5] =	stream.strided.scatter [tilespmem:s16], [sflag:$0xB], $0x4000, s7, s5, $0x38;
	[tilespmem:$0x18400] =	vst v63  }
0x45: {  	_ =	swait.ge [sflag:s20], $0x4000  }
0x46: {  	[sflag:s20] =	ssyncset.done $0x0  }
0x47: {  	s0 =	rddreg [dreg:$0xa];
	[sflag:s20] =	ssyncadd.s32 $0xFFFFC000  }
0x48: {  	[hbm4b:s0+s5] =	stream.strided.scatter [tilespmem:s13], [sflag:$0xC], $0x4000, s7, s5, $0x38;
	[tilespmem:$0x18400] =	vst v63  }
0x49: {  	_ =	swait.ge [sflag:s10], $0x4000  }
0x4a: {  	[sflag:s10] =	ssyncset.done $0x0  }
0x4b: {  	s0 =	rddreg [dreg:$0xb];
	[sflag:s10] =	ssyncadd.s32 $0xFFFFC000  }
0x4c: {  	[hbm4b:s0+s5] =	stream.strided.scatter [tilespmem:s5], [sflag:$0x7], $0x4000, s7, s5, $0x38;
	[tilespmem:$0x18400] =	vst v63  }
0x4d: {  	_ =	swait.ge [sflag:s8], $0x4000  }
0x4e: {  	[sflag:s8] =	ssyncset.done $0x0  }
0x4f: {  	s0 =	rddreg [dreg:$0xc];
	[sflag:s8] =	ssyncadd.s32 $0xFFFFC000  }
0x50: {  	[hbm4b:s0+s5] =	stream.strided.scatter [tilespmem:s6], [sflag:$0x8], $0x4000, s7, s5, $0x38;
	[tilespmem:$0x18400] =	vst v63  }
0x51: {  	_ =	swait.ge [sflag:s15], $0x4000  }
0x52: {  	[sflag:s15] =	ssyncset.done $0x0  }
0x53: {  	[sflag:s15] =	ssyncadd.s32 $0xFFFFC000  }
0x54: {  	_ =	swait.ge [sflag:s14], $0x4000  }
0x55: {  	[sflag:s14] =	ssyncset.done $0x0  }
0x56: {  	[sflag:s14] =	ssyncadd.s32 $0xFFFFC000  }
0x57: {  	_ =	swait.ge [sflag:s11], $0x4000  }
0x58: {  	[sflag:s11] =	ssyncset.done $0x0  }
0x59: {  	[sflag:s11] =	ssyncadd.s32 $0xFFFFC000  }
0x5a: {  	_ =	swait.ge [sflag:s9], $0x4000  }
0x5b: {  	[sflag:s9] =	ssyncset.done $0x0  }
0x5c: {  	p1 =	sne.s32 s1, $0x1;
	[sflag:s9] =	ssyncadd.s32 $0xFFFFC000  }
.Ltmp1:
0x5d: {  	_ =	swait.ge [sflag:s3], $0x4000;
	(pc) =	sbr.rel @!p1 .LBB2_3-.Ltmp1, $4  }
0x5e: {  	[sflag:s3] =	ssyncset.done $0x0  }
0x5f: {  	[sflag:s3] =	ssyncadd.s32 $0xFFFFC000  }
0x60: {  	s1 =	sadd.s32 $0xFFFFFFFF, s1;
	_ =	swait.ge [sflag:s4], $0x4000  }
0x61: {  	p0 =	por $0x1, $0x1;
	s0 =	rddreg [dreg:$0x4];
	[sflag:s4] =	ssyncset.done $0x0  }
.LBB2_2:
0x62: {  	[sflag:s4] =	ssyncadd.s32 $0xFFFFC000  }
0x63: {  	[tilespmem:s12], [sflag:$0xD] =	stream.linear.gather [hbm4b:s0+s12], $0x400, $0x38;
	[tilespmem:$0x18400] =	vst v63  }
0x64: {  	_ =	swait.ge [sflag:s25], $0x400  }
0x65: {  	[sflag:s25] =	ssyncset.done $0x0  }
0x66: {  	[sflag:s25] =	ssyncadd.s32 $0xFFFFFC00  }
0x67: {  	[tilespmem:s5], [sflag:$0x1] =	stream.indirect.gather [hbm4b:s2+s19], $0x80, s12, s19, $0xb8;
	[tilespmem:$0x18400] =	vst v63  }
0x68: {  	_ = 	snop  }
0x69: {  	[tilespmem:s6], [sflag:$0x2] =	stream.indirect.gather [hbm4b:s2+s19], $0x80, s19, s19, $0xb8;
	[tilespmem:$0x18400] =	vst v63  }
0x6a: {  	_ = 	snop  }
0x6b: {  	[tilespmem:s18], [sflag:$0x3] =	stream.indirect.gather [hbm4b:s2+s19], $0x80, s28, s19, $0xb8;
	[tilespmem:$0x18400] =	vst v63  }
0x6c: {  	_ = 	snop  }
0x6d: {  	[tilespmem:s17], [sflag:$0x4] =	stream.indirect.gather [hbm4b:s2+s19], $0x80, s29, s19, $0xb8;
	[tilespmem:$0x18400] =	vst v63  }
0x6e: {  	_ = 	snop  }
0x6f: {  	[tilespmem:s16], [sflag:$0x5] =	stream.indirect.gather [hbm4b:s2+s19], $0x80, s30, s19, $0xb8;
	[tilespmem:$0x18400] =	vst v63  }
0x70: {  	_ = 	snop  }
0x71: {  	[tilespmem:s13], [sflag:$0x6] =	stream.indirect.gather [hbm4b:s2+s19], $0x80, s31, s19, $0xb8;
	[tilespmem:$0x18400] =	vst v63  }
0x72: {  	_ =	swait.ge [sflag:s10], $0x4000  }
0x73: {  	[sflag:s10] =	ssyncset.done $0x0  }
0x74: {  	s0 =	rddreg [dreg:$0x5];
	[sflag:s10] =	ssyncadd.s32 $0xFFFFC000  }
0x75: {  	[hbm4b:s0+s5] =	stream.strided.scatter [tilespmem:s5], [sflag:$0x7], $0x4000, s7, s5, $0x38;
	[tilespmem:$0x18400] =	vst v63  }
0x76: {  	_ =	swait.ge [sflag:s3], $0x4000  }
0x77: {  	[sflag:s3] =	ssyncset.done $0x0  }
0x78: {  	[sflag:s3] =	ssyncadd.s32 $0xFFFFC000  }
0x79: {  	[tilespmem:s5], [sflag:$0x1] =	stream.indirect.gather [hbm4b:s2+s19], $0x80, s26, s19, $0xb8;
	[tilespmem:$0x18400] =	vst v63  }
0x7a: {  	_ =	swait.ge [sflag:s8], $0x4000  }
0x7b: {  	[sflag:s8] =	ssyncset.done $0x0  }
0x7c: {  	s0 =	rddreg [dreg:$0x6];
	[sflag:s8] =	ssyncadd.s32 $0xFFFFC000  }
0x7d: {  	[hbm4b:s0+s5] =	stream.strided.scatter [tilespmem:s6], [sflag:$0x8], $0x4000, s7, s5, $0x38;
	[tilespmem:$0x18400] =	vst v63  }
0x7e: {  	_ =	swait.ge [sflag:s4], $0x4000  }
0x7f: {  	[sflag:s4] =	ssyncset.done $0x0  }
0x80: {  	[sflag:s4] =	ssyncadd.s32 $0xFFFFC000  }
0x81: {  	[tilespmem:s6], [sflag:$0x2] =	stream.indirect.gather [hbm4b:s2+s19], $0x80, s24, s19, $0xb8;
	[tilespmem:$0x18400] =	vst v63  }
0x82: {  	_ =	swait.ge [sflag:s23], $0x4000  }
0x83: {  	[sflag:s23] =	ssyncset.done $0x0  }
0x84: {  	s0 =	rddreg [dreg:$0x7];
	[sflag:s23] =	ssyncadd.s32 $0xFFFFC000  }
0x85: {  	[hbm4b:s0+s5] =	stream.strided.scatter [tilespmem:s18], [sflag:$0x9], $0x4000, s7, s5, $0x38;
	[tilespmem:$0x18400] =	vst v63  }
0x86: {  	_ =	swait.ge [sflag:s22], $0x4000  }
0x87: {  	[sflag:s22] =	ssyncset.done $0x0  }
0x88: {  	s0 =	rddreg [dreg:$0x8];
	[sflag:s22] =	ssyncadd.s32 $0xFFFFC000  }
0x89: {  	[hbm4b:s0+s5] =	stream.strided.scatter [tilespmem:s17], [sflag:$0xA], $0x4000, s7, s5, $0x38;
	[tilespmem:$0x18400] =	vst v63  }
0x8a: {  	_ =	swait.ge [sflag:s21], $0x4000  }
0x8b: {  	[sflag:s21] =	ssyncset.done $0x0  }
0x8c: {  	s0 =	rddreg [dreg:$0x9];
	[sflag:s21] =	ssyncadd.s32 $0xFFFFC000  }
0x8d: {  	[hbm4b:s0+s5] =	stream.strided.scatter [tilespmem:s16], [sflag:$0xB], $0x4000, s7, s5, $0x38;
	[tilespmem:$0x18400] =	vst v63  }
0x8e: {  	_ =	swait.ge [sflag:s20], $0x4000  }
0x8f: {  	[sflag:s20] =	ssyncset.done $0x0  }
0x90: {  	s0 =	rddreg [dreg:$0xa];
	[sflag:s20] =	ssyncadd.s32 $0xFFFFC000  }
0x91: {  	[hbm4b:s0+s5] =	stream.strided.scatter [tilespmem:s13], [sflag:$0xC], $0x4000, s7, s5, $0x38;
	[tilespmem:$0x18400] =	vst v63  }
0x92: {  	_ =	swait.ge [sflag:s10], $0x4000  }
0x93: {  	[sflag:s10] =	ssyncset.done $0x0  }
0x94: {  	s0 =	rddreg [dreg:$0xb];
	[sflag:s10] =	ssyncadd.s32 $0xFFFFC000  }
0x95: {  	[hbm4b:s0+s5] =	stream.strided.scatter [tilespmem:s5], [sflag:$0x7], $0x4000, s7, s5, $0x38;
	[tilespmem:$0x18400] =	vst v63  }
0x96: {  	_ =	swait.ge [sflag:s8], $0x4000  }
0x97: {  	[sflag:s8] =	ssyncset.done $0x0  }
0x98: {  	s0 =	rddreg [dreg:$0xc];
	[sflag:s8] =	ssyncadd.s32 $0xFFFFC000  }
0x99: {  	[hbm4b:s0+s5] =	stream.strided.scatter [tilespmem:s6], [sflag:$0x8], $0x4000, s7, s5, $0x38;
	[tilespmem:$0x18400] =	vst v63  }
0x9a: {  	_ =	swait.ge [sflag:s15], $0x4000  }
0x9b: {  	[sflag:s15] =	ssyncset.done $0x0  }
0x9c: {  	[sflag:s15] =	ssyncadd.s32 $0xFFFFC000  }
0x9d: {  	_ =	swait.ge [sflag:s14], $0x4000  }
0x9e: {  	[sflag:s14] =	ssyncset.done $0x0  }
0x9f: {  	[sflag:s14] =	ssyncadd.s32 $0xFFFFC000  }
0xa0: {  	_ =	swait.ge [sflag:s11], $0x4000  }
0xa1: {  	[sflag:s11] =	ssyncset.done $0x0  }
0xa2: {  	[sflag:s11] =	ssyncadd.s32 $0xFFFFC000  }
0xa3: {  	_ =	swait.ge [sflag:s9], $0x4000  }
0xa4: {  	[sflag:s9] =	ssyncset.done $0x0  }
0xa5: {  	p1 =	sne.s32 s1, $0x1;
	[sflag:s9] =	ssyncadd.s32 $0xFFFFC000  }
.Ltmp2:
0xa6: {  	_ =	swait.ge [sflag:s3], $0x4000;
	(pc) =	sbr.rel @p1 .LBB2_2-.Ltmp2, $4  }
0xa7: {  	[sflag:s3] =	ssyncset.done $0x0  }
0xa8: {  	[sflag:s3] =	ssyncadd.s32 $0xFFFFC000  }
0xa9: {  	_ =	swait.ge [sflag:s4], $0x4000  }
0xaa: {  	s1 =	sadd.s32 $0xFFFFFFFF, s1;
	s0 =	rddreg [dreg:$0x4];
	[sflag:s4] =	ssyncset.done $0x0  }
.LBB2_3:
0xab: {  	[sflag:s4] =	ssyncadd.s32 @p0 $0xFFFFC000  }
0xac: {  	[tilespmem:s12], [sflag:$0xD] =	stream.linear.gather [hbm4b:s0+s12], $0x400, $0x38;
	[tilespmem:$0x18400] =	vst v63  }
0xad: {  	_ =	swait.ge [sflag:s25], $0x400  }
0xae: {  	[sflag:s25] =	ssyncset.done $0x0  }
0xaf: {  	[sflag:s25] =	ssyncadd.s32 $0xFFFFFC00  }
0xb0: {  	[tilespmem:s5], [sflag:$0x1] =	stream.indirect.gather [hbm4b:s2+s19], $0x80, s12, s19, $0xb8;
	[tilespmem:$0x18400] =	vst v63  }
0xb1: {  	_ = 	snop  }
0xb2: {  	[tilespmem:s6], [sflag:$0x2] =	stream.indirect.gather [hbm4b:s2+s19], $0x80, s19, s19, $0xb8;
	[tilespmem:$0x18400] =	vst v63  }
0xb3: {  	_ = 	snop  }
0xb4: {  	[tilespmem:s18], [sflag:$0x3] =	stream.indirect.gather [hbm4b:s2+s19], $0x80, s28, s19, $0xb8;
	[tilespmem:$0x18400] =	vst v63  }
0xb5: {  	_ = 	snop  }
0xb6: {  	[tilespmem:s17], [sflag:$0x4] =	stream.indirect.gather [hbm4b:s2+s19], $0x80, s29, s19, $0xb8;
	[tilespmem:$0x18400] =	vst v63  }
0xb7: {  	_ = 	snop  }
0xb8: {  	[tilespmem:s16], [sflag:$0x5] =	stream.indirect.gather [hbm4b:s2+s19], $0x80, s30, s19, $0xb8;
	[tilespmem:$0x18400] =	vst v63  }
0xb9: {  	_ = 	snop  }
0xba: {  	[tilespmem:s13], [sflag:$0x6] =	stream.indirect.gather [hbm4b:s2+s19], $0x80, s31, s19, $0xb8;
	[tilespmem:$0x18400] =	vst v63  }
0xbb: {  	_ =	swait.ge [sflag:s10], $0x4000  }
0xbc: {  	[sflag:s10] =	ssyncset.done $0x0  }
0xbd: {  	s1 =	rddreg [dreg:$0x5];
	[sflag:s10] =	ssyncadd.s32 $0xFFFFC000  }
0xbe: {  	[hbm4b:s1+s5] =	stream.strided.scatter [tilespmem:s5], [sflag:$0x7], $0x4000, s7, s5, $0x38;
	[tilespmem:$0x18400] =	vst v63  }
0xbf: {  	_ =	swait.ge [sflag:s3], $0x4000  }
0xc0: {  	[sflag:s3] =	ssyncset.done $0x0  }
0xc1: {  	[sflag:s3] =	ssyncadd.s32 $0xFFFFC000  }
0xc2: {  	[tilespmem:s5], [sflag:$0x1] =	stream.indirect.gather [hbm4b:s2+s19], $0x80, s26, s19, $0xb8;
	[tilespmem:$0x18400] =	vst v63  }
0xc3: {  	_ =	swait.ge [sflag:s8], $0x4000  }
0xc4: {  	[sflag:s8] =	ssyncset.done $0x0  }
0xc5: {  	s12 =	rddreg [dreg:$0x6];
	[sflag:s8] =	ssyncadd.s32 $0xFFFFC000  }
0xc6: {  	[hbm4b:s12+s5] =	stream.strided.scatter [tilespmem:s6], [sflag:$0x8], $0x4000, s7, s5, $0x38;
	[tilespmem:$0x18400] =	vst v63  }
0xc7: {  	_ =	swait.ge [sflag:s4], $0x4000  }
0xc8: {  	[sflag:s4] =	ssyncset.done $0x0  }
0xc9: {  	[sflag:s4] =	ssyncadd.s32 $0xFFFFC000  }
0xca: {  	[tilespmem:s6], [sflag:$0x2] =	stream.indirect.gather [hbm4b:s2+s19], $0x80, s24, s19, $0xb8;
	[tilespmem:$0x18400] =	vst v63  }
0xcb: {  	_ =	swait.ge [sflag:s23], $0x4000  }
0xcc: {  	[sflag:s23] =	ssyncset.done $0x0  }
0xcd: {  	s24 =	rddreg [dreg:$0x7];
	[sflag:s23] =	ssyncadd.s32 $0xFFFFC000  }
0xce: {  	[hbm4b:s24+s5] =	stream.strided.scatter [tilespmem:s18], [sflag:$0x9], $0x4000, s7, s5, $0x38;
	[tilespmem:$0x18400] =	vst v63  }
0xcf: {  	_ =	swait.ge [sflag:s22], $0x4000  }
0xd0: {  	[sflag:s22] =	ssyncset.done $0x0  }
0xd1: {  	s25 =	rddreg [dreg:$0x8];
	[sflag:s22] =	ssyncadd.s32 $0xFFFFC000  }
0xd2: {  	[hbm4b:s25+s5] =	stream.strided.scatter [tilespmem:s17], [sflag:$0xA], $0x4000, s7, s5, $0x38;
	[tilespmem:$0x18400] =	vst v63  }
0xd3: {  	_ =	swait.ge [sflag:s21], $0x4000  }
0xd4: {  	[sflag:s21] =	ssyncset.done $0x0  }
0xd5: {  	s26 =	rddreg [dreg:$0x9];
	[sflag:s21] =	ssyncadd.s32 $0xFFFFC000  }
0xd6: {  	[hbm4b:s26+s5] =	stream.strided.scatter [tilespmem:s16], [sflag:$0xB], $0x4000, s7, s5, $0x38;
	[tilespmem:$0x18400] =	vst v63  }
0xd7: {  	_ =	swait.ge [sflag:s20], $0x4000  }
0xd8: {  	[sflag:s20] =	ssyncset.done $0x0  }
0xd9: {  	s28 =	rddreg [dreg:$0xa];
	[sflag:s20] =	ssyncadd.s32 $0xFFFFC000  }
0xda: {  	[hbm4b:s28+s5] =	stream.strided.scatter [tilespmem:s13], [sflag:$0xC], $0x4000, s7, s5, $0x38;
	[tilespmem:$0x18400] =	vst v63  }
0xdb: {  	_ =	swait.ge [sflag:s10], $0x4000  }
0xdc: {  	[sflag:s10] =	ssyncset.done $0x0  }
0xdd: {  	s29 =	rddreg [dreg:$0xb];
	[sflag:s10] =	ssyncadd.s32 $0xFFFFC000  }
0xde: {  	[hbm4b:s29+s5] =	stream.strided.scatter [tilespmem:s5], [sflag:$0x7], $0x4000, s7, s5, $0x38;
	[tilespmem:$0x18400] =	vst v63  }
0xdf: {  	_ =	swait.ge [sflag:s8], $0x4000  }
0xe0: {  	[sflag:s8] =	ssyncset.done $0x0  }
0xe1: {  	s30 =	rddreg [dreg:$0xc];
	[sflag:s8] =	ssyncadd.s32 $0xFFFFC000  }
0xe2: {  	[hbm4b:s30+s5] =	stream.strided.scatter [tilespmem:s6], [sflag:$0x8], $0x4000, s7, s5, $0x38;
	[tilespmem:$0x18400] =	vst v63  }
0xe3: {  	_ =	swait.ge [sflag:s15], $0x4000  }
0xe4: {  	[sflag:s15] =	ssyncset.done $0x0  }
0xe5: {  	[sflag:s15] =	ssyncadd.s32 $0xFFFFC000  }
0xe6: {  	_ =	swait.ge [sflag:s14], $0x4000  }
0xe7: {  	[sflag:s14] =	ssyncset.done $0x0  }
0xe8: {  	[sflag:s14] =	ssyncadd.s32 $0xFFFFC000  }
0xe9: {  	_ =	swait.ge [sflag:s11], $0x4000  }
0xea: {  	[sflag:s11] =	ssyncset.done $0x0  }
0xeb: {  	[sflag:s11] =	ssyncadd.s32 $0xFFFFC000  }
0xec: {  	_ =	swait.ge [sflag:s9], $0x4000  }
0xed: {  	[sflag:s9] =	ssyncset.done $0x0  }
0xee: {  	[sflag:s9] =	ssyncadd.s32 $0xFFFFC000  }
0xef: {  	_ =	swait.ge [sflag:s3], $0x4000  }
0xf0: {  	[sflag:s3] =	ssyncset.done $0x0  }
0xf1: {  	[sflag:s3] =	ssyncadd.s32 $0xFFFFC000  }
0xf2: {  	_ =	swait.ge [sflag:s4], $0x4000  }
0xf3: {  	[sflag:s4] =	ssyncset.done $0x0  }
0xf4: {  	[sflag:s4] =	ssyncadd.s32 $0xFFFFC000  }
0xf5: {  	_ =	sfence.sel $0x180000  }
0xf6: {  	[bflag:$0x0] =	sbarrier.arrive $0xFFFF  }
0xf7: {  	_ =	strace $0x90000047  }
0xf8: {  	s31 =	stileid.u32;
	[bflag:$0x2] =	sbarrier.arrive $0xFFFF  }
0xf9: {  	p0 =	sne.s32 s31, $0x0;
	s0 =	rddreg [dreg:$0x3]  }
0xfa: {  	s0 =	sadd.s32 @!p0 $0x100000, s0  }
0xfb: {  	[sflag:s0] =	ssyncadd.tile.s32 @!p0 $0x1;
	_ =	shalt  }
.Lfunc_end2:
_tile_overlayer_lowered:
.L_overlay_start_2:
0xfc: {  	(tag) =	ssettag $0x2  }
0xfd: {  	s0 =	rddreg [dreg:$0x0];
	s2 =	stileid.u32  }
0xfe: {  	s1 =	rddreg [dreg:$0x1];
	p0 =	sne.s32 s2, $0x0  }
0xff: {  	s3 =	rddreg [dreg:$0x2];
	[bflag:$0x3] =	sbarrier.arrive $0xFFFF;
	s2 =	simm.s32 @!p0 $0x1C0D  }
0x100: {  	[timem:s3], [sflag:s2] =	dma.local @!p0 [hbm:s0], s1  }
0x101: {  	s0 =	simm.s32 @!p0 $0xD  }
0x102: {  	_ =	swait.ge @!p0 [sflag:s0], s1  }
0x103: {  	s1 =	ssub.s32 @!p0 $0x0, s1;
	[sflag:s0] =	ssyncset.done @!p0 $0x0  }
0x104: {  	[sflag:s0] =	ssyncadd.s32 @!p0 s1  }
0x105: {  	[bflag:$0x3] =	sbarrier.arrive $0xFFFF  }
0x106: {  	_ =	shalt  }

</sc_bundles>
